<compile_context>
chip_gen: v7x
topology: tpu7x:2x2x1
jax: 0.10.2.dev20260603
libtpu: 0.0.44.dev20260713+nightly
codegen_flags: <defaults>
</compile_context>

<pallas_src>
import functools

import jax
import jax.numpy as jnp
from jax import lax
from jax.experimental import pallas as pl
from jax.experimental.pallas import tpu as pltpu
from jax.experimental.pallas import tpu_sc as plsc

NC = 2
NS = 16
NW = NC * NS
E = 1024
U = 16
NBUF = 2


def _build(n_rows, k_dim, steps, w_tail):
    mesh = plsc.VectorSubcoreMesh(core_axis_name="c", subcore_axis_name="s")
    per_w = steps * E

    @functools.partial(
        pl.kernel,
        out_type=jax.ShapeDtypeStruct((NW, k_dim), jnp.float32),
        mesh=mesh,
        compiler_params=pltpu.CompilerParams(use_tc_tiling_on_sc=False),
        scratch_types=[
            *[pltpu.VMEM((2 * E,), jnp.int32) for _ in range(NBUF)],
            *[pltpu.VMEM((E,), jnp.float32) for _ in range(NBUF)],
            *[pltpu.VMEM((2 * E, k_dim), jnp.float32) for _ in range(NBUF)],
            pltpu.VMEM((k_dim,), jnp.float32),
            pltpu.VMEM_SHARED((n_rows, k_dim), jnp.float32),
            *[pltpu.SemaphoreType.DMA for _ in range(NBUF)],
            *[pltpu.SemaphoreType.DMA for _ in range(NBUF)],
        ],
    )
    def k(prob_h, rows_h, cols_h, vals_h, tr_h, tc_h, tv_h, out_h, *sc):
        ibuf = sc[0:NBUF]
        vbuf = sc[NBUF:2 * NBUF]
        gbuf = sc[2 * NBUF:3 * NBUF]
        accv = sc[3 * NBUF]
        tab_s = sc[3 * NBUF + 1]
        sin = sc[3 * NBUF + 2:3 * NBUF + 2 + NBUF]
        sg = sc[3 * NBUF + 2 + NBUF:3 * NBUF + 2 + 2 * NBUF]
        cid = lax.axis_index("c")
        sid = lax.axis_index("s")
        wid = sid * NC + cid
        base = pl.multiple_of(wid * per_w, 8)

        def stage_table():
            @pl.when(sid == 0)
            def _():
                pltpu.sync_copy(prob_h, tab_s)

            plsc.subcore_barrier()

        def issue_in(s, b):
            @pl.when(wid < w_tail)
            def _():
                off = pl.multiple_of(base + s * E, 8)
                pltpu.async_copy(rows_h.at[pl.ds(off, E)], ibuf[b].at[pl.ds(0, E)], sin[b])
                pltpu.async_copy(cols_h.at[pl.ds(off, E)], ibuf[b].at[pl.ds(E, E)], sin[b])
                pltpu.async_copy(vals_h.at[pl.ds(off, E)], vbuf[b], sin[b])

            @pl.when(wid >= w_tail)
            def _():
                off = pl.multiple_of((wid - w_tail) * per_w + s * E, 8)
                pltpu.async_copy(tr_h.at[pl.ds(off, E)], ibuf[b].at[pl.ds(0, E)], sin[b])
                pltpu.async_copy(tc_h.at[pl.ds(off, E)], ibuf[b].at[pl.ds(E, E)], sin[b])
                pltpu.async_copy(tv_h.at[pl.ds(off, E)], vbuf[b], sin[b])

        def wait_in(b):
            pltpu.make_async_copy(rows_h.at[pl.ds(0, E)], ibuf[b].at[pl.ds(0, E)], sin[b]).wait()
            pltpu.make_async_copy(cols_h.at[pl.ds(0, E)], ibuf[b].at[pl.ds(E, E)], sin[b]).wait()
            pltpu.make_async_copy(vals_h.at[pl.ds(0, E)], vbuf[b], sin[b]).wait()

        def issue_gather(b):
            pltpu.async_copy(tab_s.at[ibuf[b]], gbuf[b], sg[b])

        def wait_gather(b):
            pltpu.make_async_copy(tab_s.at[ibuf[b]], gbuf[b], sg[b]).wait()

        def compute(b, accs):
            g, vv = gbuf[b], vbuf[b]

            @plsc.parallel_loop(0, E, step=U, carry=accs)
            def done(i, a):
                vvec = vv[pl.ds(i, U)]
                out = []
                for u in range(U):
                    t = g[i + u, :] * g[E + i + u, :]
                    out.append(a[u] + vvec[u] * t)
                return tuple(out)

            return done

        def one_step(s, b, accs):
            wait_in((b + NBUF - 1) % NBUF)
            issue_gather((b + NBUF - 1) % NBUF)
            wait_gather(b)
            accs = compute(b, accs)
            issue_in(s + NBUF, b)
            return accs

        accs0 = tuple(jnp.zeros((k_dim,), jnp.float32) for _ in range(U))

        issue_in(0, 0)
        issue_in(1, 1)
        stage_table()
        wait_in(0)
        issue_gather(0)
        accs0 = one_step(jnp.int32(0), 0, accs0)

        def body2(i2, accs):
            s = 2 * i2 + 1
            accs = one_step(s, 1, accs)
            accs = one_step(s + 1, 0, accs)
            return accs

        accs0 = lax.fori_loop(0, (steps - 1) // 2, body2, accs0)

        wait_in((steps + 1) % 2)
        wait_gather(steps % 2)

        total = accs0[0]
        for u in range(1, U):
            total = total + accs0[u]
        accv[...] = total
        pltpu.sync_copy(accv, out_h.at[wid])

    return k


def kernel(prob, mat_vals, mat_rows, mat_cols, num_edges):
    nnz = mat_vals.shape[0]
    n_rows, k_dim = prob.shape
    per_w = -(-nnz // NW)
    steps = -(-per_w // E)
    if steps % 2 == 0:
        steps += 1
    per_w = steps * E
    w_tail = NW
    while w_tail > 0 and (w_tail - 1 + 1) * per_w + NBUF * E > nnz:
        w_tail -= 1
    start = w_tail * per_w
    avail = nnz - start
    tail_len = (NW - w_tail) * per_w + NBUF * E
    rows = mat_rows.astype(jnp.int32)
    cols = mat_cols.astype(jnp.int32)

    def tail(x):
        t = lax.slice(x, (start,), (nnz,))
        return jnp.pad(t, (0, tail_len - avail))

    tr = tail(rows)
    tcl = tail(cols)
    tv = tail(mat_vals)

    partials = _build(n_rows, k_dim, steps, w_tail)(
        prob, rows, cols, mat_vals, tr, tcl, tv)
    result = jnp.sum(partials)
    return jnp.reshape(result, (1,)) / num_edges

# --- scband reference (transcript-rebuilt; emitter-appended) ---
"""Pipeline reference for scband-unhappy-ratio-50491635532097 (READ-ONLY COPY).

The authoritative reference and input builder live on the scoring server;
editing this copy changes nothing except your own understanding.
"""

import jax, jax.numpy as jnp
import numpy as np

N = 16384
K = 16
NNZ_P = 2000000
NNZ_N = 700000


def setup_inputs(seed: int = 0) -> dict:
    key = jax.random.key(seed)
    k1, k2, k3, k4, k5 = jax.random.split(key, 5)
    # Random signed graph structure (constructor buffers, not learned params)
    rows_p = jax.random.randint(k1, (NNZ_P,), 0, N)
    cols_p = jax.random.randint(k2, (NNZ_P,), 0, N)
    rows_n = jax.random.randint(k3, (NNZ_N,), 0, N)
    cols_n = jax.random.randint(k4, (NNZ_N,), 0, N)
    # D_p = diag(row sums of A_p)  (A_p.T.sum(axis=0) == row sums of A_p)
    deg_p = jax.ops.segment_sum(jnp.ones((NNZ_P,), jnp.float32), rows_p, num_segments=N)
    # mat = D_p - (A_p - A_n) = D_p - A_p + A_n, stored as COO (duplicates sum implicitly)
    mat_rows = jnp.concatenate([jnp.arange(N, dtype=jnp.int32), rows_p.astype(jnp.int32), rows_n.astype(jnp.int32)])
    mat_cols = jnp.concatenate([jnp.arange(N, dtype=jnp.int32), cols_p.astype(jnp.int32), cols_n.astype(jnp.int32)])
    mat_vals = jnp.concatenate([deg_p, -jnp.ones((NNZ_P,), jnp.float32), jnp.ones((NNZ_N,), jnp.float32)])
    # Forward input: prediction probability matrix
    prob = jax.random.uniform(k5, (N, K), dtype=jnp.float32)
    num_edges = NNZ_P + NNZ_N  # nnz of (A_p - A_n); random indices ~never collide to zero
    return {"prob": prob, "mat_vals": mat_vals, "mat_rows": mat_rows, "mat_cols": mat_cols, "num_edges": num_edges}


def reference(prob, mat_vals, mat_rows, mat_cols, num_edges):
    # Original: result = sum_k prob[:,k]^T @ M @ prob[:,k]; return result / num_edges
    # Equivalent sparse quadratic form over COO nonzeros:
    # sum_{e,k} vals[e] * prob[rows[e],k] * prob[cols[e],k]
    pr = jnp.take(prob, mat_rows, axis=0)  # [nnz, K] gather
    pc = jnp.take(prob, mat_cols, axis=0)  # [nnz, K] gather
    result = jnp.sum(mat_vals[:, None] * pr * pc)
    return jnp.reshape(result, (1,)) / num_edges

if __name__ == "__main__":
    import jax
    _d = setup_inputs()
    print(jax.jit(kernel)(*tuple(_d.values())))

</pallas_src>

<mosaic_0001>
#map = affine_map<(d0, d1) -> (0, 0)>
#map1 = affine_map<(d0, d1) -> (0)>
module attributes {stable_mosaic.version = 14 : i64} {
  func.func @k(%arg0: i32, %arg1: i32, %arg2: memref<16384x16xf32, #tpu.memory_space<hbm>>, %arg3: memref<2716384xi32, #tpu.memory_space<hbm>>, %arg4: memref<2716384xi32, #tpu.memory_space<hbm>>, %arg5: memref<2716384xf32, #tpu.memory_space<hbm>>, %arg6: memref<87040xi32, #tpu.memory_space<hbm>>, %arg7: memref<87040xi32, #tpu.memory_space<hbm>>, %arg8: memref<87040xf32, #tpu.memory_space<hbm>>, %arg9: memref<32x16xf32, #tpu.memory_space<hbm>>, %arg10: memref<2048xi32, #tpu.memory_space<vmem>>, %arg11: memref<2048xi32, #tpu.memory_space<vmem>>, %arg12: memref<1024xf32, #tpu.memory_space<vmem>>, %arg13: memref<1024xf32, #tpu.memory_space<vmem>>, %arg14: memref<2048x16xf32, #tpu.memory_space<vmem>>, %arg15: memref<2048x16xf32, #tpu.memory_space<vmem>>, %arg16: memref<16xf32, #tpu.memory_space<vmem>>, %arg17: memref<16384x16xf32, #tpu.memory_space<vmem_shared>>, %arg18: memref<!tpu.dma_semaphore, #tpu.memory_space<semaphore_mem>>, %arg19: memref<!tpu.dma_semaphore, #tpu.memory_space<semaphore_mem>>, %arg20: memref<!tpu.dma_semaphore, #tpu.memory_space<semaphore_mem>>, %arg21: memref<!tpu.dma_semaphore, #tpu.memory_space<semaphore_mem>>) attributes {dimension_semantics = [#tpu.dimension_semantics<core_parallel>, #tpu.dimension_semantics<subcore_parallel>], iteration_bounds = array<i64: 2, 16>, scalar_prefetch = 0 : i64, scratch_operands = 12 : i64, tpu.core_type = #tpu.core_type<sc_vector_subcore>, window_params = [{transform_indices = #map}, {transform_indices = #map1}, {transform_indices = #map1}, {transform_indices = #map1}, {transform_indices = #map1}, {transform_indices = #map1}, {transform_indices = #map1}, {transform_indices = #map}]} {
    %mul3A = arith.constant 2 : i32
    %mul3A_0 = arith.muli %arg1, %mul3A : i32
    %add3A = arith.addi %mul3A_0, %arg0 : i32
    %mul3A_1 = arith.constant 84992 : i32
    %mul3A_2 = arith.muli %add3A, %mul3A_1 : i32
    %multiple_of3A = tpu.assume_multiple %mul3A_2, 8 : i32
    %broadcast_in_dim3A = arith.constant 0.000000e+00 : f32
    %broadcast_in_dim3A_3 = vector.broadcast %broadcast_in_dim3A : f32 to vector<16xf32>
    %broadcast_in_dim3A_4 = arith.constant 0.000000e+00 : f32
    %broadcast_in_dim3A_5 = vector.broadcast %broadcast_in_dim3A_4 : f32 to vector<16xf32>
    %broadcast_in_dim3A_6 = arith.constant 0.000000e+00 : f32
    %broadcast_in_dim3A_7 = vector.broadcast %broadcast_in_dim3A_6 : f32 to vector<16xf32>
    %broadcast_in_dim3A_8 = arith.constant 0.000000e+00 : f32
    %broadcast_in_dim3A_9 = vector.broadcast %broadcast_in_dim3A_8 : f32 to vector<16xf32>
    %broadcast_in_dim3A_10 = arith.constant 0.000000e+00 : f32
    %broadcast_in_dim3A_11 = vector.broadcast %broadcast_in_dim3A_10 : f32 to vector<16xf32>
    %broadcast_in_dim3A_12 = arith.constant 0.000000e+00 : f32
    %broadcast_in_dim3A_13 = vector.broadcast %broadcast_in_dim3A_12 : f32 to vector<16xf32>
    %broadcast_in_dim3A_14 = arith.constant 0.000000e+00 : f32
    %broadcast_in_dim3A_15 = vector.broadcast %broadcast_in_dim3A_14 : f32 to vector<16xf32>
    %broadcast_in_dim3A_16 = arith.constant 0.000000e+00 : f32
    %broadcast_in_dim3A_17 = vector.broadcast %broadcast_in_dim3A_16 : f32 to vector<16xf32>
    %broadcast_in_dim3A_18 = arith.constant 0.000000e+00 : f32
    %broadcast_in_dim3A_19 = vector.broadcast %broadcast_in_dim3A_18 : f32 to vector<16xf32>
    %broadcast_in_dim3A_20 = arith.constant 0.000000e+00 : f32
    %broadcast_in_dim3A_21 = vector.broadcast %broadcast_in_dim3A_20 : f32 to vector<16xf32>
    %broadcast_in_dim3A_22 = arith.constant 0.000000e+00 : f32
    %broadcast_in_dim3A_23 = vector.broadcast %broadcast_in_dim3A_22 : f32 to vector<16xf32>
    %broadcast_in_dim3A_24 = arith.constant 0.000000e+00 : f32
    %broadcast_in_dim3A_25 = vector.broadcast %broadcast_in_dim3A_24 : f32 to vector<16xf32>
    %broadcast_in_dim3A_26 = arith.constant 0.000000e+00 : f32
    %broadcast_in_dim3A_27 = vector.broadcast %broadcast_in_dim3A_26 : f32 to vector<16xf32>
    %broadcast_in_dim3A_28 = arith.constant 0.000000e+00 : f32
    %broadcast_in_dim3A_29 = vector.broadcast %broadcast_in_dim3A_28 : f32 to vector<16xf32>
    %broadcast_in_dim3A_30 = arith.constant 0.000000e+00 : f32
    %broadcast_in_dim3A_31 = vector.broadcast %broadcast_in_dim3A_30 : f32 to vector<16xf32>
    %broadcast_in_dim3A_32 = arith.constant 0.000000e+00 : f32
    %broadcast_in_dim3A_33 = vector.broadcast %broadcast_in_dim3A_32 : f32 to vector<16xf32>
    %lt3A = arith.constant 31 : i32
    %lt3A_34 = arith.cmpi slt, %add3A, %lt3A : i32
    %convert_element_type3A = arith.extui %lt3A_34 : i1 to i32
    %cond3A = arith.constant 0 : i32
    %cond3A_35 = arith.cmpi ne, %convert_element_type3A, %cond3A : i32
    scf.if %cond3A_35 {
      %add3A_163 = arith.constant 0 : i32
      %add3A_164 = arith.addi %multiple_of3A, %add3A_163 : i32
      %multiple_of3A_165 = tpu.assume_multiple %add3A_164, 8 : i32
      %dma_start3A_166 = arith.constant 0 : i32
      %dma_start3A_167 = tpu.memref_slice %arg10[%dma_start3A_166] : memref<2048xi32, #tpu.memory_space<vmem>> -> memref<1024xi32, #tpu.memory_space<vmem>>
      %dma_start3A_168 = tpu.memref_slice %arg3[%multiple_of3A_165] : memref<2716384xi32, #tpu.memory_space<hbm>> -> memref<1024xi32, #tpu.memory_space<hbm>>
      %dma_start3A_169 = arith.constant 0 : i32
      %dma_start3A_170 = tpu.memref_slice %arg10[%dma_start3A_169] : memref<2048xi32, #tpu.memory_space<vmem>> -> memref<1024xi32, #tpu.memory_space<vmem>>
      %dma_start3A_171 = tpu.memref_slice %arg3[%multiple_of3A_165] : memref<2716384xi32, #tpu.memory_space<hbm>> -> memref<1024xi32, #tpu.memory_space<hbm>>
      tpu.enqueue_dma source(%dma_start3A_171 : memref<1024xi32, #tpu.memory_space<hbm>>) target(%dma_start3A_170 : memref<1024xi32, #tpu.memory_space<vmem>>) target_semaphore(%arg18 : memref<!tpu.dma_semaphore, #tpu.memory_space<semaphore_mem>>)
      %dma_start3A_172 = arith.constant 1024 : i32
      %dma_start3A_173 = tpu.memref_slice %arg10[%dma_start3A_172] : memref<2048xi32, #tpu.memory_space<vmem>> -> memref<1024xi32, #tpu.memory_space<vmem>>
      %dma_start3A_174 = tpu.memref_slice %arg4[%multiple_of3A_165] : memref<2716384xi32, #tpu.memory_space<hbm>> -> memref<1024xi32, #tpu.memory_space<hbm>>
      %dma_start3A_175 = arith.constant 1024 : i32
      %dma_start3A_176 = tpu.memref_slice %arg10[%dma_start3A_175] : memref<2048xi32, #tpu.memory_space<vmem>> -> memref<1024xi32, #tpu.memory_space<vmem>>
      %dma_start3A_177 = tpu.memref_slice %arg4[%multiple_of3A_165] : memref<2716384xi32, #tpu.memory_space<hbm>> -> memref<1024xi32, #tpu.memory_space<hbm>>
      tpu.enqueue_dma source(%dma_start3A_177 : memref<1024xi32, #tpu.memory_space<hbm>>) target(%dma_start3A_176 : memref<1024xi32, #tpu.memory_space<vmem>>) target_semaphore(%arg18 : memref<!tpu.dma_semaphore, #tpu.memory_space<semaphore_mem>>)
      %dma_start3A_178 = tpu.memref_slice %arg5[%multiple_of3A_165] : memref<2716384xf32, #tpu.memory_space<hbm>> -> memref<1024xf32, #tpu.memory_space<hbm>>
      %dma_start3A_179 = tpu.memref_slice %arg5[%multiple_of3A_165] : memref<2716384xf32, #tpu.memory_space<hbm>> -> memref<1024xf32, #tpu.memory_space<hbm>>
      tpu.enqueue_dma source(%dma_start3A_179 : memref<1024xf32, #tpu.memory_space<hbm>>) target(%arg12 : memref<1024xf32, #tpu.memory_space<vmem>>) target_semaphore(%arg18 : memref<!tpu.dma_semaphore, #tpu.memory_space<semaphore_mem>>)
    } else {
    }
    %ge3A = arith.constant 31 : i32
    %ge3A_36 = arith.cmpi sge, %add3A, %ge3A : i32
    %convert_element_type3A_37 = arith.extui %ge3A_36 : i1 to i32
    %cond3A_38 = arith.constant 0 : i32
    %cond3A_39 = arith.cmpi ne, %convert_element_type3A_37, %cond3A_38 : i32
    scf.if %cond3A_39 {
      %sub3A = arith.constant 31 : i32
      %sub3A_163 = arith.subi %add3A, %sub3A : i32
      %mul3A_164 = arith.constant 84992 : i32
      %mul3A_165 = arith.muli %sub3A_163, %mul3A_164 : i32
      %add3A_166 = arith.constant 0 : i32
      %add3A_167 = arith.addi %mul3A_165, %add3A_166 : i32
      %multiple_of3A_168 = tpu.assume_multiple %add3A_167, 8 : i32
      %dma_start3A_169 = arith.constant 0 : i32
      %dma_start3A_170 = tpu.memref_slice %arg10[%dma_start3A_169] : memref<2048xi32, #tpu.memory_space<vmem>> -> memref<1024xi32, #tpu.memory_space<vmem>>
      %dma_start3A_171 = tpu.memref_slice %arg6[%multiple_of3A_168] : memref<87040xi32, #tpu.memory_space<hbm>> -> memref<1024xi32, #tpu.memory_space<hbm>>
      %dma_start3A_172 = arith.constant 0 : i32
      %dma_start3A_173 = tpu.memref_slice %arg10[%dma_start3A_172] : memref<2048xi32, #tpu.memory_space<vmem>> -> memref<1024xi32, #tpu.memory_space<vmem>>
      %dma_start3A_174 = tpu.memref_slice %arg6[%multiple_of3A_168] : memref<87040xi32, #tpu.memory_space<hbm>> -> memref<1024xi32, #tpu.memory_space<hbm>>
      tpu.enqueue_dma source(%dma_start3A_174 : memref<1024xi32, #tpu.memory_space<hbm>>) target(%dma_start3A_173 : memref<1024xi32, #tpu.memory_space<vmem>>) target_semaphore(%arg18 : memref<!tpu.dma_semaphore, #tpu.memory_space<semaphore_mem>>)
      %dma_start3A_175 = arith.constant 1024 : i32
      %dma_start3A_176 = tpu.memref_slice %arg10[%dma_start3A_175] : memref<2048xi32, #tpu.memory_space<vmem>> -> memref<1024xi32, #tpu.memory_space<vmem>>
      %dma_start3A_177 = tpu.memref_slice %arg7[%multiple_of3A_168] : memref<87040xi32, #tpu.memory_space<hbm>> -> memref<1024xi32, #tpu.memory_space<hbm>>
      %dma_start3A_178 = arith.constant 1024 : i32
      %dma_start3A_179 = tpu.memref_slice %arg10[%dma_start3A_178] : memref<2048xi32, #tpu.memory_space<vmem>> -> memref<1024xi32, #tpu.memory_space<vmem>>
      %dma_start3A_180 = tpu.memref_slice %arg7[%multiple_of3A_168] : memref<87040xi32, #tpu.memory_space<hbm>> -> memref<1024xi32, #tpu.memory_space<hbm>>
      tpu.enqueue_dma source(%dma_start3A_180 : memref<1024xi32, #tpu.memory_space<hbm>>) target(%dma_start3A_179 : memref<1024xi32, #tpu.memory_space<vmem>>) target_semaphore(%arg18 : memref<!tpu.dma_semaphore, #tpu.memory_space<semaphore_mem>>)
      %dma_start3A_181 = tpu.memref_slice %arg8[%multiple_of3A_168] : memref<87040xf32, #tpu.memory_space<hbm>> -> memref<1024xf32, #tpu.memory_space<hbm>>
      %dma_start3A_182 = tpu.memref_slice %arg8[%multiple_of3A_168] : memref<87040xf32, #tpu.memory_space<hbm>> -> memref<1024xf32, #tpu.memory_space<hbm>>
      tpu.enqueue_dma source(%dma_start3A_182 : memref<1024xf32, #tpu.memory_space<hbm>>) target(%arg12 : memref<1024xf32, #tpu.memory_space<vmem>>) target_semaphore(%arg18 : memref<!tpu.dma_semaphore, #tpu.memory_space<semaphore_mem>>)
    } else {
    }
    %lt3A_40 = arith.constant 31 : i32
    %lt3A_41 = arith.cmpi slt, %add3A, %lt3A_40 : i32
    %convert_element_type3A_42 = arith.extui %lt3A_41 : i1 to i32
    %cond3A_43 = arith.constant 0 : i32
    %cond3A_44 = arith.cmpi ne, %convert_element_type3A_42, %cond3A_43 : i32
    scf.if %cond3A_44 {
      %add3A_163 = arith.constant 1024 : i32
      %add3A_164 = arith.addi %multiple_of3A, %add3A_163 : i32
      %multiple_of3A_165 = tpu.assume_multiple %add3A_164, 8 : i32
      %dma_start3A_166 = arith.constant 0 : i32
      %dma_start3A_167 = tpu.memref_slice %arg11[%dma_start3A_166] : memref<2048xi32, #tpu.memory_space<vmem>> -> memref<1024xi32, #tpu.memory_space<vmem>>
      %dma_start3A_168 = tpu.memref_slice %arg3[%multiple_of3A_165] : memref<2716384xi32, #tpu.memory_space<hbm>> -> memref<1024xi32, #tpu.memory_space<hbm>>
      %dma_start3A_169 = arith.constant 0 : i32
      %dma_start3A_170 = tpu.memref_slice %arg11[%dma_start3A_169] : memref<2048xi32, #tpu.memory_space<vmem>> -> memref<1024xi32, #tpu.memory_space<vmem>>
      %dma_start3A_171 = tpu.memref_slice %arg3[%multiple_of3A_165] : memref<2716384xi32, #tpu.memory_space<hbm>> -> memref<1024xi32, #tpu.memory_space<hbm>>
      tpu.enqueue_dma source(%dma_start3A_171 : memref<1024xi32, #tpu.memory_space<hbm>>) target(%dma_start3A_170 : memref<1024xi32, #tpu.memory_space<vmem>>) target_semaphore(%arg19 : memref<!tpu.dma_semaphore, #tpu.memory_space<semaphore_mem>>)
      %dma_start3A_172 = arith.constant 1024 : i32
      %dma_start3A_173 = tpu.memref_slice %arg11[%dma_start3A_172] : memref<2048xi32, #tpu.memory_space<vmem>> -> memref<1024xi32, #tpu.memory_space<vmem>>
      %dma_start3A_174 = tpu.memref_slice %arg4[%multiple_of3A_165] : memref<2716384xi32, #tpu.memory_space<hbm>> -> memref<1024xi32, #tpu.memory_space<hbm>>
      %dma_start3A_175 = arith.constant 1024 : i32
      %dma_start3A_176 = tpu.memref_slice %arg11[%dma_start3A_175] : memref<2048xi32, #tpu.memory_space<vmem>> -> memref<1024xi32, #tpu.memory_space<vmem>>
      %dma_start3A_177 = tpu.memref_slice %arg4[%multiple_of3A_165] : memref<2716384xi32, #tpu.memory_space<hbm>> -> memref<1024xi32, #tpu.memory_space<hbm>>
      tpu.enqueue_dma source(%dma_start3A_177 : memref<1024xi32, #tpu.memory_space<hbm>>) target(%dma_start3A_176 : memref<1024xi32, #tpu.memory_space<vmem>>) target_semaphore(%arg19 : memref<!tpu.dma_semaphore, #tpu.memory_space<semaphore_mem>>)
      %dma_start3A_178 = tpu.memref_slice %arg5[%multiple_of3A_165] : memref<2716384xf32, #tpu.memory_space<hbm>> -> memref<1024xf32, #tpu.memory_space<hbm>>
      %dma_start3A_179 = tpu.memref_slice %arg5[%multiple_of3A_165] : memref<2716384xf32, #tpu.memory_space<hbm>> -> memref<1024xf32, #tpu.memory_space<hbm>>
      tpu.enqueue_dma source(%dma_start3A_179 : memref<1024xf32, #tpu.memory_space<hbm>>) target(%arg13 : memref<1024xf32, #tpu.memory_space<vmem>>) target_semaphore(%arg19 : memref<!tpu.dma_semaphore, #tpu.memory_space<semaphore_mem>>)
    } else {
    }
    %ge3A_45 = arith.constant 31 : i32
    %ge3A_46 = arith.cmpi sge, %add3A, %ge3A_45 : i32
    %convert_element_type3A_47 = arith.extui %ge3A_46 : i1 to i32
    %cond3A_48 = arith.constant 0 : i32
    %cond3A_49 = arith.cmpi ne, %convert_element_type3A_47, %cond3A_48 : i32
    scf.if %cond3A_49 {
      %sub3A = arith.constant 31 : i32
      %sub3A_163 = arith.subi %add3A, %sub3A : i32
      %mul3A_164 = arith.constant 84992 : i32
      %mul3A_165 = arith.muli %sub3A_163, %mul3A_164 : i32
      %add3A_166 = arith.constant 1024 : i32
      %add3A_167 = arith.addi %mul3A_165, %add3A_166 : i32
      %multiple_of3A_168 = tpu.assume_multiple %add3A_167, 8 : i32
      %dma_start3A_169 = arith.constant 0 : i32
      %dma_start3A_170 = tpu.memref_slice %arg11[%dma_start3A_169] : memref<2048xi32, #tpu.memory_space<vmem>> -> memref<1024xi32, #tpu.memory_space<vmem>>
      %dma_start3A_171 = tpu.memref_slice %arg6[%multiple_of3A_168] : memref<87040xi32, #tpu.memory_space<hbm>> -> memref<1024xi32, #tpu.memory_space<hbm>>
      %dma_start3A_172 = arith.constant 0 : i32
      %dma_start3A_173 = tpu.memref_slice %arg11[%dma_start3A_172] : memref<2048xi32, #tpu.memory_space<vmem>> -> memref<1024xi32, #tpu.memory_space<vmem>>
      %dma_start3A_174 = tpu.memref_slice %arg6[%multiple_of3A_168] : memref<87040xi32, #tpu.memory_space<hbm>> -> memref<1024xi32, #tpu.memory_space<hbm>>
      tpu.enqueue_dma source(%dma_start3A_174 : memref<1024xi32, #tpu.memory_space<hbm>>) target(%dma_start3A_173 : memref<1024xi32, #tpu.memory_space<vmem>>) target_semaphore(%arg19 : memref<!tpu.dma_semaphore, #tpu.memory_space<semaphore_mem>>)
      %dma_start3A_175 = arith.constant 1024 : i32
      %dma_start3A_176 = tpu.memref_slice %arg11[%dma_start3A_175] : memref<2048xi32, #tpu.memory_space<vmem>> -> memref<1024xi32, #tpu.memory_space<vmem>>
      %dma_start3A_177 = tpu.memref_slice %arg7[%multiple_of3A_168] : memref<87040xi32, #tpu.memory_space<hbm>> -> memref<1024xi32, #tpu.memory_space<hbm>>
      %dma_start3A_178 = arith.constant 1024 : i32
      %dma_start3A_179 = tpu.memref_slice %arg11[%dma_start3A_178] : memref<2048xi32, #tpu.memory_space<vmem>> -> memref<1024xi32, #tpu.memory_space<vmem>>
      %dma_start3A_180 = tpu.memref_slice %arg7[%multiple_of3A_168] : memref<87040xi32, #tpu.memory_space<hbm>> -> memref<1024xi32, #tpu.memory_space<hbm>>
      tpu.enqueue_dma source(%dma_start3A_180 : memref<1024xi32, #tpu.memory_space<hbm>>) target(%dma_start3A_179 : memref<1024xi32, #tpu.memory_space<vmem>>) target_semaphore(%arg19 : memref<!tpu.dma_semaphore, #tpu.memory_space<semaphore_mem>>)
      %dma_start3A_181 = tpu.memref_slice %arg8[%multiple_of3A_168] : memref<87040xf32, #tpu.memory_space<hbm>> -> memref<1024xf32, #tpu.memory_space<hbm>>
      %dma_start3A_182 = tpu.memref_slice %arg8[%multiple_of3A_168] : memref<87040xf32, #tpu.memory_space<hbm>> -> memref<1024xf32, #tpu.memory_space<hbm>>
      tpu.enqueue_dma source(%dma_start3A_182 : memref<1024xf32, #tpu.memory_space<hbm>>) target(%arg13 : memref<1024xf32, #tpu.memory_space<vmem>>) target_semaphore(%arg19 : memref<!tpu.dma_semaphore, #tpu.memory_space<semaphore_mem>>)
    } else {
    }
    %eq3A = arith.constant 0 : i32
    %eq3A_50 = arith.cmpi eq, %arg1, %eq3A : i32
    %convert_element_type3A_51 = arith.extui %eq3A_50 : i1 to i32
    %cond3A_52 = arith.constant 0 : i32
    %cond3A_53 = arith.cmpi ne, %convert_element_type3A_51, %cond3A_52 : i32
    scf.if %cond3A_53 {
      "tpu.region"() ({
        %run_scoped3A = tpu.sem_alloc : memref<!tpu.dma_semaphore, #tpu.memory_space<semaphore_mem>>
        tpu.enqueue_dma source(%arg2 : memref<16384x16xf32, #tpu.memory_space<hbm>>) target(%arg17 : memref<16384x16xf32, #tpu.memory_space<vmem_shared>>) target_semaphore(%run_scoped3A : memref<!tpu.dma_semaphore, #tpu.memory_space<semaphore_mem>>)
        tpu.wait_dma2 semaphore(%run_scoped3A : memref<!tpu.dma_semaphore, #tpu.memory_space<semaphore_mem>>) src(%arg2 : memref<16384x16xf32, #tpu.memory_space<hbm>>) dst(%arg17 : memref<16384x16xf32, #tpu.memory_space<vmem_shared>>)
        tpu.yield
      }) : () -> ()
    } else {
    }
    %barrier3A = arith.constant 0 : index
    tpu.barrier barrier_id(%barrier3A)
    %dma_wait3A = arith.constant 0 : i32
    %dma_wait3A_54 = tpu.memref_slice %arg10[%dma_wait3A] : memref<2048xi32, #tpu.memory_space<vmem>> -> memref<1024xi32, #tpu.memory_space<vmem>>
    %dma_wait3A_55 = arith.constant 0 : i32
    %dma_wait3A_56 = tpu.memref_slice %arg3[%dma_wait3A_55] : memref<2716384xi32, #tpu.memory_space<hbm>> -> memref<1024xi32, #tpu.memory_space<hbm>>
    %dma_wait3A_57 = arith.constant 0 : i32
    %dma_wait3A_58 = tpu.memref_slice %arg10[%dma_wait3A_57] : memref<2048xi32, #tpu.memory_space<vmem>> -> memref<1024xi32, #tpu.memory_space<vmem>>
    %dma_wait3A_59 = arith.constant 0 : i32
    %dma_wait3A_60 = tpu.memref_slice %arg3[%dma_wait3A_59] : memref<2716384xi32, #tpu.memory_space<hbm>> -> memref<1024xi32, #tpu.memory_space<hbm>>
    tpu.wait_dma2 semaphore(%arg18 : memref<!tpu.dma_semaphore, #tpu.memory_space<semaphore_mem>>) src(%dma_wait3A_60 : memref<1024xi32, #tpu.memory_space<hbm>>) dst(%dma_wait3A_58 : memref<1024xi32, #tpu.memory_space<vmem>>)
    %dma_wait3A_61 = arith.constant 1024 : i32
    %dma_wait3A_62 = tpu.memref_slice %arg10[%dma_wait3A_61] : memref<2048xi32, #tpu.memory_space<vmem>> -> memref<1024xi32, #tpu.memory_space<vmem>>
    %dma_wait3A_63 = arith.constant 0 : i32
    %dma_wait3A_64 = tpu.memref_slice %arg4[%dma_wait3A_63] : memref<2716384xi32, #tpu.memory_space<hbm>> -> memref<1024xi32, #tpu.memory_space<hbm>>
    %dma_wait3A_65 = arith.constant 1024 : i32
    %dma_wait3A_66 = tpu.memref_slice %arg10[%dma_wait3A_65] : memref<2048xi32, #tpu.memory_space<vmem>> -> memref<1024xi32, #tpu.memory_space<vmem>>
    %dma_wait3A_67 = arith.constant 0 : i32
    %dma_wait3A_68 = tpu.memref_slice %arg4[%dma_wait3A_67] : memref<2716384xi32, #tpu.memory_space<hbm>> -> memref<1024xi32, #tpu.memory_space<hbm>>
    tpu.wait_dma2 semaphore(%arg18 : memref<!tpu.dma_semaphore, #tpu.memory_space<semaphore_mem>>) src(%dma_wait3A_68 : memref<1024xi32, #tpu.memory_space<hbm>>) dst(%dma_wait3A_66 : memref<1024xi32, #tpu.memory_space<vmem>>)
    %dma_wait3A_69 = arith.constant 0 : i32
    %dma_wait3A_70 = tpu.memref_slice %arg5[%dma_wait3A_69] : memref<2716384xf32, #tpu.memory_space<hbm>> -> memref<1024xf32, #tpu.memory_space<hbm>>
    %dma_wait3A_71 = arith.constant 0 : i32
    %dma_wait3A_72 = tpu.memref_slice %arg5[%dma_wait3A_71] : memref<2716384xf32, #tpu.memory_space<hbm>> -> memref<1024xf32, #tpu.memory_space<hbm>>
    tpu.wait_dma2 semaphore(%arg18 : memref<!tpu.dma_semaphore, #tpu.memory_space<semaphore_mem>>) src(%dma_wait3A_72 : memref<1024xf32, #tpu.memory_space<hbm>>) dst(%arg12 : memref<1024xf32, #tpu.memory_space<vmem>>)
    %dma_start3A = arith.constant 0 : i32
    %dma_start3A_73 = arith.constant 0 : i32
    %dma_start3A_74 = tpu.memref_slice %arg17[%dma_start3A, %dma_start3A_73] : memref<16384x16xf32, #tpu.memory_space<vmem_shared>> -> memref<16384x16xf32, #tpu.memory_space<vmem_shared>>
    tpu.enqueue_indirect_dma source(%dma_start3A_74 : memref<16384x16xf32, #tpu.memory_space<vmem_shared>>) target(%arg14 : memref<2048x16xf32, #tpu.memory_space<vmem>>) offsets(%arg10 : memref<2048xi32, #tpu.memory_space<vmem>>) semaphore(%arg20 : memref<!tpu.dma_semaphore, #tpu.memory_space<semaphore_mem>>)
    %dma_wait3A_75 = arith.constant 0 : i32
    %dma_wait3A_76 = tpu.memref_slice %arg11[%dma_wait3A_75] : memref<2048xi32, #tpu.memory_space<vmem>> -> memref<1024xi32, #tpu.memory_space<vmem>>
    %dma_wait3A_77 = arith.constant 0 : i32
    %dma_wait3A_78 = tpu.memref_slice %arg3[%dma_wait3A_77] : memref<2716384xi32, #tpu.memory_space<hbm>> -> memref<1024xi32, #tpu.memory_space<hbm>>
    %dma_wait3A_79 = arith.constant 0 : i32
    %dma_wait3A_80 = tpu.memref_slice %arg11[%dma_wait3A_79] : memref<2048xi32, #tpu.memory_space<vmem>> -> memref<1024xi32, #tpu.memory_space<vmem>>
    %dma_wait3A_81 = arith.constant 0 : i32
    %dma_wait3A_82 = tpu.memref_slice %arg3[%dma_wait3A_81] : memref<2716384xi32, #tpu.memory_space<hbm>> -> memref<1024xi32, #tpu.memory_space<hbm>>
    tpu.wait_dma2 semaphore(%arg19 : memref<!tpu.dma_semaphore, #tpu.memory_space<semaphore_mem>>) src(%dma_wait3A_82 : memref<1024xi32, #tpu.memory_space<hbm>>) dst(%dma_wait3A_80 : memref<1024xi32, #tpu.memory_space<vmem>>)
    %dma_wait3A_83 = arith.constant 1024 : i32
    %dma_wait3A_84 = tpu.memref_slice %arg11[%dma_wait3A_83] : memref<2048xi32, #tpu.memory_space<vmem>> -> memref<1024xi32, #tpu.memory_space<vmem>>
    %dma_wait3A_85 = arith.constant 0 : i32
    %dma_wait3A_86 = tpu.memref_slice %arg4[%dma_wait3A_85] : memref<2716384xi32, #tpu.memory_space<hbm>> -> memref<1024xi32, #tpu.memory_space<hbm>>
    %dma_wait3A_87 = arith.constant 1024 : i32
    %dma_wait3A_88 = tpu.memref_slice %arg11[%dma_wait3A_87] : memref<2048xi32, #tpu.memory_space<vmem>> -> memref<1024xi32, #tpu.memory_space<vmem>>
    %dma_wait3A_89 = arith.constant 0 : i32
    %dma_wait3A_90 = tpu.memref_slice %arg4[%dma_wait3A_89] : memref<2716384xi32, #tpu.memory_space<hbm>> -> memref<1024xi32, #tpu.memory_space<hbm>>
    tpu.wait_dma2 semaphore(%arg19 : memref<!tpu.dma_semaphore, #tpu.memory_space<semaphore_mem>>) src(%dma_wait3A_90 : memref<1024xi32, #tpu.memory_space<hbm>>) dst(%dma_wait3A_88 : memref<1024xi32, #tpu.memory_space<vmem>>)
    %dma_wait3A_91 = arith.constant 0 : i32
    %dma_wait3A_92 = tpu.memref_slice %arg5[%dma_wait3A_91] : memref<2716384xf32, #tpu.memory_space<hbm>> -> memref<1024xf32, #tpu.memory_space<hbm>>
    %dma_wait3A_93 = arith.constant 0 : i32
    %dma_wait3A_94 = tpu.memref_slice %arg5[%dma_wait3A_93] : memref<2716384xf32, #tpu.memory_space<hbm>> -> memref<1024xf32, #tpu.memory_space<hbm>>
    tpu.wait_dma2 semaphore(%arg19 : memref<!tpu.dma_semaphore, #tpu.memory_space<semaphore_mem>>) src(%dma_wait3A_94 : memref<1024xf32, #tpu.memory_space<hbm>>) dst(%arg13 : memref<1024xf32, #tpu.memory_space<vmem>>)
    %dma_start3A_95 = arith.constant 0 : i32
    %dma_start3A_96 = arith.constant 0 : i32
    %dma_start3A_97 = tpu.memref_slice %arg17[%dma_start3A_95, %dma_start3A_96] : memref<16384x16xf32, #tpu.memory_space<vmem_shared>> -> memref<16384x16xf32, #tpu.memory_space<vmem_shared>>
    tpu.enqueue_indirect_dma source(%dma_start3A_97 : memref<16384x16xf32, #tpu.memory_space<vmem_shared>>) target(%arg15 : memref<2048x16xf32, #tpu.memory_space<vmem>>) offsets(%arg11 : memref<2048xi32, #tpu.memory_space<vmem>>) semaphore(%arg21 : memref<!tpu.dma_semaphore, #tpu.memory_space<semaphore_mem>>)
    %dma_wait3A_98 = arith.constant 0 : i32
    %dma_wait3A_99 = arith.constant 0 : i32
    %dma_wait3A_100 = tpu.memref_slice %arg17[%dma_wait3A_98, %dma_wait3A_99] : memref<16384x16xf32, #tpu.memory_space<vmem_shared>> -> memref<16384x16xf32, #tpu.memory_space<vmem_shared>>
    tpu.wait_indirect_dma semaphore(%arg20 : memref<!tpu.dma_semaphore, #tpu.memory_space<semaphore_mem>>) src(%dma_wait3A_100 : memref<16384x16xf32, #tpu.memory_space<vmem_shared>>) dst(%arg14 : memref<2048x16xf32, #tpu.memory_space<vmem>>)
    %parallel_loop3A = arith.constant 0 : i32
    %parallel_loop3A_101 = arith.constant 1024 : i32
    %parallel_loop3A_102 = arith.constant 16 : i32
    %parallel_loop3A_103:16 = scf.for %parallel_loop3A_163 = %parallel_loop3A to %parallel_loop3A_101 step %parallel_loop3A_102 iter_args(%parallel_loop3A_164 = %broadcast_in_dim3A_3, %parallel_loop3A_165 = %broadcast_in_dim3A_5, %parallel_loop3A_166 = %broadcast_in_dim3A_7, %parallel_loop3A_167 = %broadcast_in_dim3A_9, %parallel_loop3A_168 = %broadcast_in_dim3A_11, %parallel_loop3A_169 = %broadcast_in_dim3A_13, %parallel_loop3A_170 = %broadcast_in_dim3A_15, %parallel_loop3A_171 = %broadcast_in_dim3A_17, %parallel_loop3A_172 = %broadcast_in_dim3A_19, %parallel_loop3A_173 = %broadcast_in_dim3A_21, %parallel_loop3A_174 = %broadcast_in_dim3A_23, %parallel_loop3A_175 = %broadcast_in_dim3A_25, %parallel_loop3A_176 = %broadcast_in_dim3A_27, %parallel_loop3A_177 = %broadcast_in_dim3A_29, %parallel_loop3A_178 = %broadcast_in_dim3A_31, %parallel_loop3A_179 = %broadcast_in_dim3A_33) -> (vector<16xf32>, vector<16xf32>, vector<16xf32>, vector<16xf32>, vector<16xf32>, vector<16xf32>, vector<16xf32>, vector<16xf32>, vector<16xf32>, vector<16xf32>, vector<16xf32>, vector<16xf32>, vector<16xf32>, vector<16xf32>, vector<16xf32>, vector<16xf32>)  : i32 {
      %parallel_loop3A_180 = arith.index_cast %parallel_loop3A_163 : i32 to index
      %parallel_loop3A_181 = tpu.vector_load %arg12[%parallel_loop3A_180] {strides = array<i32>} : memref<1024xf32, #tpu.memory_space<vmem>>, vector<16xf32>,
      %parallel_loop3A_182 = vector.shape_cast %parallel_loop3A_181 : vector<16xf32> to vector<16xf32>
      %parallel_loop3A_183 = arith.constant 0 : i32
      %parallel_loop3A_184 = arith.addi %parallel_loop3A_163, %parallel_loop3A_183 : i32
      %parallel_loop3A_185 = arith.index_cast %parallel_loop3A_184 : i32 to index
      %parallel_loop3A_186 = arith.constant 0 : index
      %parallel_loop3A_187 = tpu.vector_load %arg14[%parallel_loop3A_185, %parallel_loop3A_186] {strides = array<i32>} : memref<2048x16xf32, #tpu.memory_space<vmem>>, vector<1x16xf32>,
      %parallel_loop3A_188 = vector.shape_cast %parallel_loop3A_187 : vector<1x16xf32> to vector<16xf32>
      %parallel_loop3A_189 = arith.constant 1024 : i32
      %parallel_loop3A_190 = arith.addi %parallel_loop3A_189, %parallel_loop3A_163 : i32
      %parallel_loop3A_191 = arith.constant 0 : i32
      %parallel_loop3A_192 = arith.addi %parallel_loop3A_190, %parallel_loop3A_191 : i32
      %parallel_loop3A_193 = arith.index_cast %parallel_loop3A_192 : i32 to index
      %parallel_loop3A_194 = arith.constant 0 : index
      %parallel_loop3A_195 = tpu.vector_load %arg14[%parallel_loop3A_193, %parallel_loop3A_194] {strides = array<i32>} : memref<2048x16xf32, #tpu.memory_space<vmem>>, vector<1x16xf32>,
      %parallel_loop3A_196 = vector.shape_cast %parallel_loop3A_195 : vector<1x16xf32> to vector<16xf32>
      %parallel_loop3A_197 = arith.mulf %parallel_loop3A_188, %parallel_loop3A_196 : vector<16xf32>
      %parallel_loop3A_198 = vector.extract_strided_slice %parallel_loop3A_182 {offsets = [0], sizes = [1], strides = [1]} : vector<16xf32> to vector<1xf32>
      %parallel_loop3A_199 = vector.extract %parallel_loop3A_198[0] : f32 from vector<1xf32>
      %parallel_loop3A_200 = vector.broadcast %parallel_loop3A_199 : f32 to vector<16xf32>
      %parallel_loop3A_201 = arith.mulf %parallel_loop3A_200, %parallel_loop3A_197 : vector<16xf32>
      %parallel_loop3A_202 = arith.addf %parallel_loop3A_164, %parallel_loop3A_201 : vector<16xf32>
      %parallel_loop3A_203 = arith.constant 1 : i32
      %parallel_loop3A_204 = arith.addi %parallel_loop3A_163, %parallel_loop3A_203 : i32
      %parallel_loop3A_205 = arith.index_cast %parallel_loop3A_204 : i32 to index
      %parallel_loop3A_206 = arith.constant 0 : index
      %parallel_loop3A_207 = tpu.vector_load %arg14[%parallel_loop3A_205, %parallel_loop3A_206] {strides = array<i32>} : memref<2048x16xf32, #tpu.memory_space<vmem>>, vector<1x16xf32>,
      %parallel_loop3A_208 = vector.shape_cast %parallel_loop3A_207 : vector<1x16xf32> to vector<16xf32>
      %parallel_loop3A_209 = arith.constant 1024 : i32
      %parallel_loop3A_210 = arith.addi %parallel_loop3A_209, %parallel_loop3A_163 : i32
      %parallel_loop3A_211 = arith.constant 1 : i32
      %parallel_loop3A_212 = arith.addi %parallel_loop3A_210, %parallel_loop3A_211 : i32
      %parallel_loop3A_213 = arith.index_cast %parallel_loop3A_212 : i32 to index
      %parallel_loop3A_214 = arith.constant 0 : index
      %parallel_loop3A_215 = tpu.vector_load %arg14[%parallel_loop3A_213, %parallel_loop3A_214] {strides = array<i32>} : memref<2048x16xf32, #tpu.memory_space<vmem>>, vector<1x16xf32>,
      %parallel_loop3A_216 = vector.shape_cast %parallel_loop3A_215 : vector<1x16xf32> to vector<16xf32>
      %parallel_loop3A_217 = arith.mulf %parallel_loop3A_208, %parallel_loop3A_216 : vector<16xf32>
      %parallel_loop3A_218 = vector.extract_strided_slice %parallel_loop3A_182 {offsets = [1], sizes = [1], strides = [1]} : vector<16xf32> to vector<1xf32>
      %parallel_loop3A_219 = vector.extract %parallel_loop3A_218[0] : f32 from vector<1xf32>
      %parallel_loop3A_220 = vector.broadcast %parallel_loop3A_219 : f32 to vector<16xf32>
      %parallel_loop3A_221 = arith.mulf %parallel_loop3A_220, %parallel_loop3A_217 : vector<16xf32>
      %parallel_loop3A_222 = arith.addf %parallel_loop3A_165, %parallel_loop3A_221 : vector<16xf32>
      %parallel_loop3A_223 = arith.constant 2 : i32
      %parallel_loop3A_224 = arith.addi %parallel_loop3A_163, %parallel_loop3A_223 : i32
      %parallel_loop3A_225 = arith.index_cast %parallel_loop3A_224 : i32 to index
      %parallel_loop3A_226 = arith.constant 0 : index
      %parallel_loop3A_227 = tpu.vector_load %arg14[%parallel_loop3A_225, %parallel_loop3A_226] {strides = array<i32>} : memref<2048x16xf32, #tpu.memory_space<vmem>>, vector<1x16xf32>,
      %parallel_loop3A_228 = vector.shape_cast %parallel_loop3A_227 : vector<1x16xf32> to vector<16xf32>
      %parallel_loop3A_229 = arith.constant 1024 : i32
      %parallel_loop3A_230 = arith.addi %parallel_loop3A_229, %parallel_loop3A_163 : i32
      %parallel_loop3A_231 = arith.constant 2 : i32
      %parallel_loop3A_232 = arith.addi %parallel_loop3A_230, %parallel_loop3A_231 : i32
      %parallel_loop3A_233 = arith.index_cast %parallel_loop3A_232 : i32 to index
      %parallel_loop3A_234 = arith.constant 0 : index
      %parallel_loop3A_235 = tpu.vector_load %arg14[%parallel_loop3A_233, %parallel_loop3A_234] {strides = array<i32>} : memref<2048x16xf32, #tpu.memory_space<vmem>>, vector<1x16xf32>,
      %parallel_loop3A_236 = vector.shape_cast %parallel_loop3A_235 : vector<1x16xf32> to vector<16xf32>
      %parallel_loop3A_237 = arith.mulf %parallel_loop3A_228, %parallel_loop3A_236 : vector<16xf32>
      %parallel_loop3A_238 = vector.extract_strided_slice %parallel_loop3A_182 {offsets = [2], sizes = [1], strides = [1]} : vector<16xf32> to vector<1xf32>
      %parallel_loop3A_239 = vector.extract %parallel_loop3A_238[0] : f32 from vector<1xf32>
      %parallel_loop3A_240 = vector.broadcast %parallel_loop3A_239 : f32 to vector<16xf32>
      %parallel_loop3A_241 = arith.mulf %parallel_loop3A_240, %parallel_loop3A_237 : vector<16xf32>
      %parallel_loop3A_242 = arith.addf %parallel_loop3A_166, %parallel_loop3A_241 : vector<16xf32>
      %parallel_loop3A_243 = arith.constant 3 : i32
      %parallel_loop3A_244 = arith.addi %parallel_loop3A_163, %parallel_loop3A_243 : i32
      %parallel_loop3A_245 = arith.index_cast %parallel_loop3A_244 : i32 to index
      %parallel_loop3A_246 = arith.constant 0 : index
      %parallel_loop3A_247 = tpu.vector_load %arg14[%parallel_loop3A_245, %parallel_loop3A_246] {strides = array<i32>} : memref<2048x16xf32, #tpu.memory_space<vmem>>, vector<1x16xf32>,
      %parallel_loop3A_248 = vector.shape_cast %parallel_loop3A_247 : vector<1x16xf32> to vector<16xf32>
      %parallel_loop3A_249 = arith.constant 1024 : i32
      %parallel_loop3A_250 = arith.addi %parallel_loop3A_249, %parallel_loop3A_163 : i32
      %parallel_loop3A_251 = arith.constant 3 : i32
      %parallel_loop3A_252 = arith.addi %parallel_loop3A_250, %parallel_loop3A_251 : i32
      %parallel_loop3A_253 = arith.index_cast %parallel_loop3A_252 : i32 to index
      %parallel_loop3A_254 = arith.constant 0 : index
      %parallel_loop3A_255 = tpu.vector_load %arg14[%parallel_loop3A_253, %parallel_loop3A_254] {strides = array<i32>} : memref<2048x16xf32, #tpu.memory_space<vmem>>, vector<1x16xf32>,
      %parallel_loop3A_256 = vector.shape_cast %parallel_loop3A_255 : vector<1x16xf32> to vector<16xf32>
      %parallel_loop3A_257 = arith.mulf %parallel_loop3A_248, %parallel_loop3A_256 : vector<16xf32>
      %parallel_loop3A_258 = vector.extract_strided_slice %parallel_loop3A_182 {offsets = [3], sizes = [1], strides = [1]} : vector<16xf32> to vector<1xf32>
      %parallel_loop3A_259 = vector.extract %parallel_loop3A_258[0] : f32 from vector<1xf32>
      %parallel_loop3A_260 = vector.broadcast %parallel_loop3A_259 : f32 to vector<16xf32>
      %parallel_loop3A_261 = arith.mulf %parallel_loop3A_260, %parallel_loop3A_257 : vector<16xf32>
      %parallel_loop3A_262 = arith.addf %parallel_loop3A_167, %parallel_loop3A_261 : vector<16xf32>
      %parallel_loop3A_263 = arith.constant 4 : i32
      %parallel_loop3A_264 = arith.addi %parallel_loop3A_163, %parallel_loop3A_263 : i32
      %parallel_loop3A_265 = arith.index_cast %parallel_loop3A_264 : i32 to index
      %parallel_loop3A_266 = arith.constant 0 : index
      %parallel_loop3A_267 = tpu.vector_load %arg14[%parallel_loop3A_265, %parallel_loop3A_266] {strides = array<i32>} : memref<2048x16xf32, #tpu.memory_space<vmem>>, vector<1x16xf32>,
      %parallel_loop3A_268 = vector.shape_cast %parallel_loop3A_267 : vector<1x16xf32> to vector<16xf32>
      %parallel_loop3A_269 = arith.constant 1024 : i32
      %parallel_loop3A_270 = arith.addi %parallel_loop3A_269, %parallel_loop3A_163 : i32
      %parallel_loop3A_271 = arith.constant 4 : i32
      %parallel_loop3A_272 = arith.addi %parallel_loop3A_270, %parallel_loop3A_271 : i32
      %parallel_loop3A_273 = arith.index_cast %parallel_loop3A_272 : i32 to index
      %parallel_loop3A_274 = arith.constant 0 : index
      %parallel_loop3A_275 = tpu.vector_load %arg14[%parallel_loop3A_273, %parallel_loop3A_274] {strides = array<i32>} : memref<2048x16xf32, #tpu.memory_space<vmem>>, vector<1x16xf32>,
      %parallel_loop3A_276 = vector.shape_cast %parallel_loop3A_275 : vector<1x16xf32> to vector<16xf32>
      %parallel_loop3A_277 = arith.mulf %parallel_loop3A_268, %parallel_loop3A_276 : vector<16xf32>
      %parallel_loop3A_278 = vector.extract_strided_slice %parallel_loop3A_182 {offsets = [4], sizes = [1], strides = [1]} : vector<16xf32> to vector<1xf32>
      %parallel_loop3A_279 = vector.extract %parallel_loop3A_278[0] : f32 from vector<1xf32>
      %parallel_loop3A_280 = vector.broadcast %parallel_loop3A_279 : f32 to vector<16xf32>
      %parallel_loop3A_281 = arith.mulf %parallel_loop3A_280, %parallel_loop3A_277 : vector<16xf32>
      %parallel_loop3A_282 = arith.addf %parallel_loop3A_168, %parallel_loop3A_281 : vector<16xf32>
      %parallel_loop3A_283 = arith.constant 5 : i32
      %parallel_loop3A_284 = arith.addi %parallel_loop3A_163, %parallel_loop3A_283 : i32
      %parallel_loop3A_285 = arith.index_cast %parallel_loop3A_284 : i32 to index
      %parallel_loop3A_286 = arith.constant 0 : index
      %parallel_loop3A_287 = tpu.vector_load %arg14[%parallel_loop3A_285, %parallel_loop3A_286] {strides = array<i32>} : memref<2048x16xf32, #tpu.memory_space<vmem>>, vector<1x16xf32>,
      %parallel_loop3A_288 = vector.shape_cast %parallel_loop3A_287 : vector<1x16xf32> to vector<16xf32>
      %parallel_loop3A_289 = arith.constant 1024 : i32
      %parallel_loop3A_290 = arith.addi %parallel_loop3A_289, %parallel_loop3A_163 : i32
      %parallel_loop3A_291 = arith.constant 5 : i32
      %parallel_loop3A_292 = arith.addi %parallel_loop3A_290, %parallel_loop3A_291 : i32
      %parallel_loop3A_293 = arith.index_cast %parallel_loop3A_292 : i32 to index
      %parallel_loop3A_294 = arith.constant 0 : index
      %parallel_loop3A_295 = tpu.vector_load %arg14[%parallel_loop3A_293, %parallel_loop3A_294] {strides = array<i32>} : memref<2048x16xf32, #tpu.memory_space<vmem>>, vector<1x16xf32>,
      %parallel_loop3A_296 = vector.shape_cast %parallel_loop3A_295 : vector<1x16xf32> to vector<16xf32>
      %parallel_loop3A_297 = arith.mulf %parallel_loop3A_288, %parallel_loop3A_296 : vector<16xf32>
      %parallel_loop3A_298 = vector.extract_strided_slice %parallel_loop3A_182 {offsets = [5], sizes = [1], strides = [1]} : vector<16xf32> to vector<1xf32>
      %parallel_loop3A_299 = vector.extract %parallel_loop3A_298[0] : f32 from vector<1xf32>
      %parallel_loop3A_300 = vector.broadcast %parallel_loop3A_299 : f32 to vector<16xf32>
      %parallel_loop3A_301 = arith.mulf %parallel_loop3A_300, %parallel_loop3A_297 : vector<16xf32>
      %parallel_loop3A_302 = arith.addf %parallel_loop3A_169, %parallel_loop3A_301 : vector<16xf32>
      %parallel_loop3A_303 = arith.constant 6 : i32
      %parallel_loop3A_304 = arith.addi %parallel_loop3A_163, %parallel_loop3A_303 : i32
      %parallel_loop3A_305 = arith.index_cast %parallel_loop3A_304 : i32 to index
      %parallel_loop3A_306 = arith.constant 0 : index
      %parallel_loop3A_307 = tpu.vector_load %arg14[%parallel_loop3A_305, %parallel_loop3A_306] {strides = array<i32>} : memref<2048x16xf32, #tpu.memory_space<vmem>>, vector<1x16xf32>,
      %parallel_loop3A_308 = vector.shape_cast %parallel_loop3A_307 : vector<1x16xf32> to vector<16xf32>
      %parallel_loop3A_309 = arith.constant 1024 : i32
      %parallel_loop3A_310 = arith.addi %parallel_loop3A_309, %parallel_loop3A_163 : i32
      %parallel_loop3A_311 = arith.constant 6 : i32
      %parallel_loop3A_312 = arith.addi %parallel_loop3A_310, %parallel_loop3A_311 : i32
      %parallel_loop3A_313 = arith.index_cast %parallel_loop3A_312 : i32 to index
      %parallel_loop3A_314 = arith.constant 0 : index
      %parallel_loop3A_315 = tpu.vector_load %arg14[%parallel_loop3A_313, %parallel_loop3A_314] {strides = array<i32>} : memref<2048x16xf32, #tpu.memory_space<vmem>>, vector<1x16xf32>,
      %parallel_loop3A_316 = vector.shape_cast %parallel_loop3A_315 : vector<1x16xf32> to vector<16xf32>
      %parallel_loop3A_317 = arith.mulf %parallel_loop3A_308, %parallel_loop3A_316 : vector<16xf32>
      %parallel_loop3A_318 = vector.extract_strided_slice %parallel_loop3A_182 {offsets = [6], sizes = [1], strides = [1]} : vector<16xf32> to vector<1xf32>
      %parallel_loop3A_319 = vector.extract %parallel_loop3A_318[0] : f32 from vector<1xf32>
      %parallel_loop3A_320 = vector.broadcast %parallel_loop3A_319 : f32 to vector<16xf32>
      %parallel_loop3A_321 = arith.mulf %parallel_loop3A_320, %parallel_loop3A_317 : vector<16xf32>
      %parallel_loop3A_322 = arith.addf %parallel_loop3A_170, %parallel_loop3A_321 : vector<16xf32>
      %parallel_loop3A_323 = arith.constant 7 : i32
      %parallel_loop3A_324 = arith.addi %parallel_loop3A_163, %parallel_loop3A_323 : i32
      %parallel_loop3A_325 = arith.index_cast %parallel_loop3A_324 : i32 to index
      %parallel_loop3A_326 = arith.constant 0 : index
      %parallel_loop3A_327 = tpu.vector_load %arg14[%parallel_loop3A_325, %parallel_loop3A_326] {strides = array<i32>} : memref<2048x16xf32, #tpu.memory_space<vmem>>, vector<1x16xf32>,
      %parallel_loop3A_328 = vector.shape_cast %parallel_loop3A_327 : vector<1x16xf32> to vector<16xf32>
      %parallel_loop3A_329 = arith.constant 1024 : i32
      %parallel_loop3A_330 = arith.addi %parallel_loop3A_329, %parallel_loop3A_163 : i32
      %parallel_loop3A_331 = arith.constant 7 : i32
      %parallel_loop3A_332 = arith.addi %parallel_loop3A_330, %parallel_loop3A_331 : i32
      %parallel_loop3A_333 = arith.index_cast %parallel_loop3A_332 : i32 to index
      %parallel_loop3A_334 = arith.constant 0 : index
      %parallel_loop3A_335 = tpu.vector_load %arg14[%parallel_loop3A_333, %parallel_loop3A_334] {strides = array<i32>} : memref<2048x16xf32, #tpu.memory_space<vmem>>, vector<1x16xf32>,
      %parallel_loop3A_336 = vector.shape_cast %parallel_loop3A_335 : vector<1x16xf32> to vector<16xf32>
      %parallel_loop3A_337 = arith.mulf %parallel_loop3A_328, %parallel_loop3A_336 : vector<16xf32>
      %parallel_loop3A_338 = vector.extract_strided_slice %parallel_loop3A_182 {offsets = [7], sizes = [1], strides = [1]} : vector<16xf32> to vector<1xf32>
      %parallel_loop3A_339 = vector.extract %parallel_loop3A_338[0] : f32 from vector<1xf32>
      %parallel_loop3A_340 = vector.broadcast %parallel_loop3A_339 : f32 to vector<16xf32>
      %parallel_loop3A_341 = arith.mulf %parallel_loop3A_340, %parallel_loop3A_337 : vector<16xf32>
      %parallel_loop3A_342 = arith.addf %parallel_loop3A_171, %parallel_loop3A_341 : vector<16xf32>
      %parallel_loop3A_343 = arith.constant 8 : i32
      %parallel_loop3A_344 = arith.addi %parallel_loop3A_163, %parallel_loop3A_343 : i32
      %parallel_loop3A_345 = arith.index_cast %parallel_loop3A_344 : i32 to index
      %parallel_loop3A_346 = arith.constant 0 : index
      %parallel_loop3A_347 = tpu.vector_load %arg14[%parallel_loop3A_345, %parallel_loop3A_346] {strides = array<i32>} : memref<2048x16xf32, #tpu.memory_space<vmem>>, vector<1x16xf32>,
      %parallel_loop3A_348 = vector.shape_cast %parallel_loop3A_347 : vector<1x16xf32> to vector<16xf32>
      %parallel_loop3A_349 = arith.constant 1024 : i32
      %parallel_loop3A_350 = arith.addi %parallel_loop3A_349, %parallel_loop3A_163 : i32
      %parallel_loop3A_351 = arith.constant 8 : i32
      %parallel_loop3A_352 = arith.addi %parallel_loop3A_350, %parallel_loop3A_351 : i32
      %parallel_loop3A_353 = arith.index_cast %parallel_loop3A_352 : i32 to index
      %parallel_loop3A_354 = arith.constant 0 : index
      %parallel_loop3A_355 = tpu.vector_load %arg14[%parallel_loop3A_353, %parallel_loop3A_354] {strides = array<i32>} : memref<2048x16xf32, #tpu.memory_space<vmem>>, vector<1x16xf32>,
      %parallel_loop3A_356 = vector.shape_cast %parallel_loop3A_355 : vector<1x16xf32> to vector<16xf32>
      %parallel_loop3A_357 = arith.mulf %parallel_loop3A_348, %parallel_loop3A_356 : vector<16xf32>
      %parallel_loop3A_358 = vector.extract_strided_slice %parallel_loop3A_182 {offsets = [8], sizes = [1], strides = [1]} : vector<16xf32> to vector<1xf32>
      %parallel_loop3A_359 = vector.extract %parallel_loop3A_358[0] : f32 from vector<1xf32>
      %parallel_loop3A_360 = vector.broadcast %parallel_loop3A_359 : f32 to vector<16xf32>
      %parallel_loop3A_361 = arith.mulf %parallel_loop3A_360, %parallel_loop3A_357 : vector<16xf32>
      %parallel_loop3A_362 = arith.addf %parallel_loop3A_172, %parallel_loop3A_361 : vector<16xf32>
      %parallel_loop3A_363 = arith.constant 9 : i32
      %parallel_loop3A_364 = arith.addi %parallel_loop3A_163, %parallel_loop3A_363 : i32
      %parallel_loop3A_365 = arith.index_cast %parallel_loop3A_364 : i32 to index
      %parallel_loop3A_366 = arith.constant 0 : index
      %parallel_loop3A_367 = tpu.vector_load %arg14[%parallel_loop3A_365, %parallel_loop3A_366] {strides = array<i32>} : memref<2048x16xf32, #tpu.memory_space<vmem>>, vector<1x16xf32>,
      %parallel_loop3A_368 = vector.shape_cast %parallel_loop3A_367 : vector<1x16xf32> to vector<16xf32>
      %parallel_loop3A_369 = arith.constant 1024 : i32
      %parallel_loop3A_370 = arith.addi %parallel_loop3A_369, %parallel_loop3A_163 : i32
      %parallel_loop3A_371 = arith.constant 9 : i32
      %parallel_loop3A_372 = arith.addi %parallel_loop3A_370, %parallel_loop3A_371 : i32
      %parallel_loop3A_373 = arith.index_cast %parallel_loop3A_372 : i32 to index
      %parallel_loop3A_374 = arith.constant 0 : index
      %parallel_loop3A_375 = tpu.vector_load %arg14[%parallel_loop3A_373, %parallel_loop3A_374] {strides = array<i32>} : memref<2048x16xf32, #tpu.memory_space<vmem>>, vector<1x16xf32>,
      %parallel_loop3A_376 = vector.shape_cast %parallel_loop3A_375 : vector<1x16xf32> to vector<16xf32>
      %parallel_loop3A_377 = arith.mulf %parallel_loop3A_368, %parallel_loop3A_376 : vector<16xf32>
      %parallel_loop3A_378 = vector.extract_strided_slice %parallel_loop3A_182 {offsets = [9], sizes = [1], strides = [1]} : vector<16xf32> to vector<1xf32>
      %parallel_loop3A_379 = vector.extract %parallel_loop3A_378[0] : f32 from vector<1xf32>
      %parallel_loop3A_380 = vector.broadcast %parallel_loop3A_379 : f32 to vector<16xf32>
      %parallel_loop3A_381 = arith.mulf %parallel_loop3A_380, %parallel_loop3A_377 : vector<16xf32>
      %parallel_loop3A_382 = arith.addf %parallel_loop3A_173, %parallel_loop3A_381 : vector<16xf32>
      %parallel_loop3A_383 = arith.constant 10 : i32
      %parallel_loop3A_384 = arith.addi %parallel_loop3A_163, %parallel_loop3A_383 : i32
      %parallel_loop3A_385 = arith.index_cast %parallel_loop3A_384 : i32 to index
      %parallel_loop3A_386 = arith.constant 0 : index
      %parallel_loop3A_387 = tpu.vector_load %arg14[%parallel_loop3A_385, %parallel_loop3A_386] {strides = array<i32>} : memref<2048x16xf32, #tpu.memory_space<vmem>>, vector<1x16xf32>,
      %parallel_loop3A_388 = vector.shape_cast %parallel_loop3A_387 : vector<1x16xf32> to vector<16xf32>
      %parallel_loop3A_389 = arith.constant 1024 : i32
      %parallel_loop3A_390 = arith.addi %parallel_loop3A_389, %parallel_loop3A_163 : i32
      %parallel_loop3A_391 = arith.constant 10 : i32
      %parallel_loop3A_392 = arith.addi %parallel_loop3A_390, %parallel_loop3A_391 : i32
      %parallel_loop3A_393 = arith.index_cast %parallel_loop3A_392 : i32 to index
      %parallel_loop3A_394 = arith.constant 0 : index
      %parallel_loop3A_395 = tpu.vector_load %arg14[%parallel_loop3A_393, %parallel_loop3A_394] {strides = array<i32>} : memref<2048x16xf32, #tpu.memory_space<vmem>>, vector<1x16xf32>,
      %parallel_loop3A_396 = vector.shape_cast %parallel_loop3A_395 : vector<1x16xf32> to vector<16xf32>
      %parallel_loop3A_397 = arith.mulf %parallel_loop3A_388, %parallel_loop3A_396 : vector<16xf32>
      %parallel_loop3A_398 = vector.extract_strided_slice %parallel_loop3A_182 {offsets = [10], sizes = [1], strides = [1]} : vector<16xf32> to vector<1xf32>
      %parallel_loop3A_399 = vector.extract %parallel_loop3A_398[0] : f32 from vector<1xf32>
      %parallel_loop3A_400 = vector.broadcast %parallel_loop3A_399 : f32 to vector<16xf32>
      %parallel_loop3A_401 = arith.mulf %parallel_loop3A_400, %parallel_loop3A_397 : vector<16xf32>
      %parallel_loop3A_402 = arith.addf %parallel_loop3A_174, %parallel_loop3A_401 : vector<16xf32>
      %parallel_loop3A_403 = arith.constant 11 : i32
      %parallel_loop3A_404 = arith.addi %parallel_loop3A_163, %parallel_loop3A_403 : i32
      %parallel_loop3A_405 = arith.index_cast %parallel_loop3A_404 : i32 to index
      %parallel_loop3A_406 = arith.constant 0 : index
      %parallel_loop3A_407 = tpu.vector_load %arg14[%parallel_loop3A_405, %parallel_loop3A_406] {strides = array<i32>} : memref<2048x16xf32, #tpu.memory_space<vmem>>, vector<1x16xf32>,
      %parallel_loop3A_408 = vector.shape_cast %parallel_loop3A_407 : vector<1x16xf32> to vector<16xf32>
      %parallel_loop3A_409 = arith.constant 1024 : i32
      %parallel_loop3A_410 = arith.addi %parallel_loop3A_409, %parallel_loop3A_163 : i32
      %parallel_loop3A_411 = arith.constant 11 : i32
      %parallel_loop3A_412 = arith.addi %parallel_loop3A_410, %parallel_loop3A_411 : i32
      %parallel_loop3A_413 = arith.index_cast %parallel_loop3A_412 : i32 to index
      %parallel_loop3A_414 = arith.constant 0 : index
      %parallel_loop3A_415 = tpu.vector_load %arg14[%parallel_loop3A_413, %parallel_loop3A_414] {strides = array<i32>} : memref<2048x16xf32, #tpu.memory_space<vmem>>, vector<1x16xf32>,
      %parallel_loop3A_416 = vector.shape_cast %parallel_loop3A_415 : vector<1x16xf32> to vector<16xf32>
      %parallel_loop3A_417 = arith.mulf %parallel_loop3A_408, %parallel_loop3A_416 : vector<16xf32>
      %parallel_loop3A_418 = vector.extract_strided_slice %parallel_loop3A_182 {offsets = [11], sizes = [1], strides = [1]} : vector<16xf32> to vector<1xf32>
      %parallel_loop3A_419 = vector.extract %parallel_loop3A_418[0] : f32 from vector<1xf32>
      %parallel_loop3A_420 = vector.broadcast %parallel_loop3A_419 : f32 to vector<16xf32>
      %parallel_loop3A_421 = arith.mulf %parallel_loop3A_420, %parallel_loop3A_417 : vector<16xf32>
      %parallel_loop3A_422 = arith.addf %parallel_loop3A_175, %parallel_loop3A_421 : vector<16xf32>
      %parallel_loop3A_423 = arith.constant 12 : i32
      %parallel_loop3A_424 = arith.addi %parallel_loop3A_163, %parallel_loop3A_423 : i32
      %parallel_loop3A_425 = arith.index_cast %parallel_loop3A_424 : i32 to index
      %parallel_loop3A_426 = arith.constant 0 : index
      %parallel_loop3A_427 = tpu.vector_load %arg14[%parallel_loop3A_425, %parallel_loop3A_426] {strides = array<i32>} : memref<2048x16xf32, #tpu.memory_space<vmem>>, vector<1x16xf32>,
      %parallel_loop3A_428 = vector.shape_cast %parallel_loop3A_427 : vector<1x16xf32> to vector<16xf32>
      %parallel_loop3A_429 = arith.constant 1024 : i32
      %parallel_loop3A_430 = arith.addi %parallel_loop3A_429, %parallel_loop3A_163 : i32
      %parallel_loop3A_431 = arith.constant 12 : i32
      %parallel_loop3A_432 = arith.addi %parallel_loop3A_430, %parallel_loop3A_431 : i32
      %parallel_loop3A_433 = arith.index_cast %parallel_loop3A_432 : i32 to index
      %parallel_loop3A_434 = arith.constant 0 : index
      %parallel_loop3A_435 = tpu.vector_load %arg14[%parallel_loop3A_433, %parallel_loop3A_434] {strides = array<i32>} : memref<2048x16xf32, #tpu.memory_space<vmem>>, vector<1x16xf32>,
      %parallel_loop3A_436 = vector.shape_cast %parallel_loop3A_435 : vector<1x16xf32> to vector<16xf32>
      %parallel_loop3A_437 = arith.mulf %parallel_loop3A_428, %parallel_loop3A_436 : vector<16xf32>
      %parallel_loop3A_438 = vector.extract_strided_slice %parallel_loop3A_182 {offsets = [12], sizes = [1], strides = [1]} : vector<16xf32> to vector<1xf32>
      %parallel_loop3A_439 = vector.extract %parallel_loop3A_438[0] : f32 from vector<1xf32>
      %parallel_loop3A_440 = vector.broadcast %parallel_loop3A_439 : f32 to vector<16xf32>
      %parallel_loop3A_441 = arith.mulf %parallel_loop3A_440, %parallel_loop3A_437 : vector<16xf32>
      %parallel_loop3A_442 = arith.addf %parallel_loop3A_176, %parallel_loop3A_441 : vector<16xf32>
      %parallel_loop3A_443 = arith.constant 13 : i32
      %parallel_loop3A_444 = arith.addi %parallel_loop3A_163, %parallel_loop3A_443 : i32
      %parallel_loop3A_445 = arith.index_cast %parallel_loop3A_444 : i32 to index
      %parallel_loop3A_446 = arith.constant 0 : index
      %parallel_loop3A_447 = tpu.vector_load %arg14[%parallel_loop3A_445, %parallel_loop3A_446] {strides = array<i32>} : memref<2048x16xf32, #tpu.memory_space<vmem>>, vector<1x16xf32>,
      %parallel_loop3A_448 = vector.shape_cast %parallel_loop3A_447 : vector<1x16xf32> to vector<16xf32>
      %parallel_loop3A_449 = arith.constant 1024 : i32
      %parallel_loop3A_450 = arith.addi %parallel_loop3A_449, %parallel_loop3A_163 : i32
      %parallel_loop3A_451 = arith.constant 13 : i32
      %parallel_loop3A_452 = arith.addi %parallel_loop3A_450, %parallel_loop3A_451 : i32
      %parallel_loop3A_453 = arith.index_cast %parallel_loop3A_452 : i32 to index
      %parallel_loop3A_454 = arith.constant 0 : index
      %parallel_loop3A_455 = tpu.vector_load %arg14[%parallel_loop3A_453, %parallel_loop3A_454] {strides = array<i32>} : memref<2048x16xf32, #tpu.memory_space<vmem>>, vector<1x16xf32>,
      %parallel_loop3A_456 = vector.shape_cast %parallel_loop3A_455 : vector<1x16xf32> to vector<16xf32>
      %parallel_loop3A_457 = arith.mulf %parallel_loop3A_448, %parallel_loop3A_456 : vector<16xf32>
      %parallel_loop3A_458 = vector.extract_strided_slice %parallel_loop3A_182 {offsets = [13], sizes = [1], strides = [1]} : vector<16xf32> to vector<1xf32>
      %parallel_loop3A_459 = vector.extract %parallel_loop3A_458[0] : f32 from vector<1xf32>
      %parallel_loop3A_460 = vector.broadcast %parallel_loop3A_459 : f32 to vector<16xf32>
      %parallel_loop3A_461 = arith.mulf %parallel_loop3A_460, %parallel_loop3A_457 : vector<16xf32>
      %parallel_loop3A_462 = arith.addf %parallel_loop3A_177, %parallel_loop3A_461 : vector<16xf32>
      %parallel_loop3A_463 = arith.constant 14 : i32
      %parallel_loop3A_464 = arith.addi %parallel_loop3A_163, %parallel_loop3A_463 : i32
      %parallel_loop3A_465 = arith.index_cast %parallel_loop3A_464 : i32 to index
      %parallel_loop3A_466 = arith.constant 0 : index
      %parallel_loop3A_467 = tpu.vector_load %arg14[%parallel_loop3A_465, %parallel_loop3A_466] {strides = array<i32>} : memref<2048x16xf32, #tpu.memory_space<vmem>>, vector<1x16xf32>,
      %parallel_loop3A_468 = vector.shape_cast %parallel_loop3A_467 : vector<1x16xf32> to vector<16xf32>
      %parallel_loop3A_469 = arith.constant 1024 : i32
      %parallel_loop3A_470 = arith.addi %parallel_loop3A_469, %parallel_loop3A_163 : i32
      %parallel_loop3A_471 = arith.constant 14 : i32
      %parallel_loop3A_472 = arith.addi %parallel_loop3A_470, %parallel_loop3A_471 : i32
      %parallel_loop3A_473 = arith.index_cast %parallel_loop3A_472 : i32 to index
      %parallel_loop3A_474 = arith.constant 0 : index
      %parallel_loop3A_475 = tpu.vector_load %arg14[%parallel_loop3A_473, %parallel_loop3A_474] {strides = array<i32>} : memref<2048x16xf32, #tpu.memory_space<vmem>>, vector<1x16xf32>,
      %parallel_loop3A_476 = vector.shape_cast %parallel_loop3A_475 : vector<1x16xf32> to vector<16xf32>
      %parallel_loop3A_477 = arith.mulf %parallel_loop3A_468, %parallel_loop3A_476 : vector<16xf32>
      %parallel_loop3A_478 = vector.extract_strided_slice %parallel_loop3A_182 {offsets = [14], sizes = [1], strides = [1]} : vector<16xf32> to vector<1xf32>
      %parallel_loop3A_479 = vector.extract %parallel_loop3A_478[0] : f32 from vector<1xf32>
      %parallel_loop3A_480 = vector.broadcast %parallel_loop3A_479 : f32 to vector<16xf32>
      %parallel_loop3A_481 = arith.mulf %parallel_loop3A_480, %parallel_loop3A_477 : vector<16xf32>
      %parallel_loop3A_482 = arith.addf %parallel_loop3A_178, %parallel_loop3A_481 : vector<16xf32>
      %parallel_loop3A_483 = arith.constant 15 : i32
      %parallel_loop3A_484 = arith.addi %parallel_loop3A_163, %parallel_loop3A_483 : i32
      %parallel_loop3A_485 = arith.index_cast %parallel_loop3A_484 : i32 to index
      %parallel_loop3A_486 = arith.constant 0 : index
      %parallel_loop3A_487 = tpu.vector_load %arg14[%parallel_loop3A_485, %parallel_loop3A_486] {strides = array<i32>} : memref<2048x16xf32, #tpu.memory_space<vmem>>, vector<1x16xf32>,
      %parallel_loop3A_488 = vector.shape_cast %parallel_loop3A_487 : vector<1x16xf32> to vector<16xf32>
      %parallel_loop3A_489 = arith.constant 1024 : i32
      %parallel_loop3A_490 = arith.addi %parallel_loop3A_489, %parallel_loop3A_163 : i32
      %parallel_loop3A_491 = arith.constant 15 : i32
      %parallel_loop3A_492 = arith.addi %parallel_loop3A_490, %parallel_loop3A_491 : i32
      %parallel_loop3A_493 = arith.index_cast %parallel_loop3A_492 : i32 to index
      %parallel_loop3A_494 = arith.constant 0 : index
      %parallel_loop3A_495 = tpu.vector_load %arg14[%parallel_loop3A_493, %parallel_loop3A_494] {strides = array<i32>} : memref<2048x16xf32, #tpu.memory_space<vmem>>, vector<1x16xf32>,
      %parallel_loop3A_496 = vector.shape_cast %parallel_loop3A_495 : vector<1x16xf32> to vector<16xf32>
      %parallel_loop3A_497 = arith.mulf %parallel_loop3A_488, %parallel_loop3A_496 : vector<16xf32>
      %parallel_loop3A_498 = vector.extract_strided_slice %parallel_loop3A_182 {offsets = [15], sizes = [1], strides = [1]} : vector<16xf32> to vector<1xf32>
      %parallel_loop3A_499 = vector.extract %parallel_loop3A_498[0] : f32 from vector<1xf32>
      %parallel_loop3A_500 = vector.broadcast %parallel_loop3A_499 : f32 to vector<16xf32>
      %parallel_loop3A_501 = arith.mulf %parallel_loop3A_500, %parallel_loop3A_497 : vector<16xf32>
      %parallel_loop3A_502 = arith.addf %parallel_loop3A_179, %parallel_loop3A_501 : vector<16xf32>
      scf.yield %parallel_loop3A_202, %parallel_loop3A_222, %parallel_loop3A_242, %parallel_loop3A_262, %parallel_loop3A_282, %parallel_loop3A_302, %parallel_loop3A_322, %parallel_loop3A_342, %parallel_loop3A_362, %parallel_loop3A_382, %parallel_loop3A_402, %parallel_loop3A_422, %parallel_loop3A_442, %parallel_loop3A_462, %parallel_loop3A_482, %parallel_loop3A_502 : vector<16xf32>, vector<16xf32>, vector<16xf32>, vector<16xf32>, vector<16xf32>, vector<16xf32>, vector<16xf32>, vector<16xf32>, vector<16xf32>, vector<16xf32>, vector<16xf32>, vector<16xf32>, vector<16xf32>, vector<16xf32>, vector<16xf32>, vector<16xf32>
    } {sc.loop_unroll_factor = 1 : i64, sc.parallel_access}
    %add3A_104 = arith.constant 0 : i32
    %add3A_105 = arith.constant 2 : i32
    %add3A_106 = arith.addi %add3A_104, %add3A_105 : i32
    %lt3A_107 = arith.constant 31 : i32
    %lt3A_108 = arith.cmpi slt, %add3A, %lt3A_107 : i32
    %convert_element_type3A_109 = arith.extui %lt3A_108 : i1 to i32
    %cond3A_110 = arith.constant 0 : i32
    %cond3A_111 = arith.cmpi ne, %convert_element_type3A_109, %cond3A_110 : i32
    scf.if %cond3A_111 {
      %mul3A_163 = arith.constant 1024 : i32
      %mul3A_164 = arith.muli %add3A_106, %mul3A_163 : i32
      %add3A_165 = arith.addi %multiple_of3A, %mul3A_164 : i32
      %multiple_of3A_166 = tpu.assume_multiple %add3A_165, 8 : i32
      %dma_start3A_167 = arith.constant 0 : i32
      %dma_start3A_168 = tpu.memref_slice %arg10[%dma_start3A_167] : memref<2048xi32, #tpu.memory_space<vmem>> -> memref<1024xi32, #tpu.memory_space<vmem>>
      %dma_start3A_169 = tpu.memref_slice %arg3[%multiple_of3A_166] : memref<2716384xi32, #tpu.memory_space<hbm>> -> memref<1024xi32, #tpu.memory_space<hbm>>
      %dma_start3A_170 = arith.constant 0 : i32
      %dma_start3A_171 = tpu.memref_slice %arg10[%dma_start3A_170] : memref<2048xi32, #tpu.memory_space<vmem>> -> memref<1024xi32, #tpu.memory_space<vmem>>
      %dma_start3A_172 = tpu.memref_slice %arg3[%multiple_of3A_166] : memref<2716384xi32, #tpu.memory_space<hbm>> -> memref<1024xi32, #tpu.memory_space<hbm>>
      tpu.enqueue_dma source(%dma_start3A_172 : memref<1024xi32, #tpu.memory_space<hbm>>) target(%dma_start3A_171 : memref<1024xi32, #tpu.memory_space<vmem>>) target_semaphore(%arg18 : memref<!tpu.dma_semaphore, #tpu.memory_space<semaphore_mem>>)
      %dma_start3A_173 = arith.constant 1024 : i32
      %dma_start3A_174 = tpu.memref_slice %arg10[%dma_start3A_173] : memref<2048xi32, #tpu.memory_space<vmem>> -> memref<1024xi32, #tpu.memory_space<vmem>>
      %dma_start3A_175 = tpu.memref_slice %arg4[%multiple_of3A_166] : memref<2716384xi32, #tpu.memory_space<hbm>> -> memref<1024xi32, #tpu.memory_space<hbm>>
      %dma_start3A_176 = arith.constant 1024 : i32
      %dma_start3A_177 = tpu.memref_slice %arg10[%dma_start3A_176] : memref<2048xi32, #tpu.memory_space<vmem>> -> memref<1024xi32, #tpu.memory_space<vmem>>
      %dma_start3A_178 = tpu.memref_slice %arg4[%multiple_of3A_166] : memref<2716384xi32, #tpu.memory_space<hbm>> -> memref<1024xi32, #tpu.memory_space<hbm>>
      tpu.enqueue_dma source(%dma_start3A_178 : memref<1024xi32, #tpu.memory_space<hbm>>) target(%dma_start3A_177 : memref<1024xi32, #tpu.memory_space<vmem>>) target_semaphore(%arg18 : memref<!tpu.dma_semaphore, #tpu.memory_space<semaphore_mem>>)
      %dma_start3A_179 = tpu.memref_slice %arg5[%multiple_of3A_166] : memref<2716384xf32, #tpu.memory_space<hbm>> -> memref<1024xf32, #tpu.memory_space<hbm>>
      %dma_start3A_180 = tpu.memref_slice %arg5[%multiple_of3A_166] : memref<2716384xf32, #tpu.memory_space<hbm>> -> memref<1024xf32, #tpu.memory_space<hbm>>
      tpu.enqueue_dma source(%dma_start3A_180 : memref<1024xf32, #tpu.memory_space<hbm>>) target(%arg12 : memref<1024xf32, #tpu.memory_space<vmem>>) target_semaphore(%arg18 : memref<!tpu.dma_semaphore, #tpu.memory_space<semaphore_mem>>)
    } else {
    }
    %ge3A_112 = arith.constant 31 : i32
    %ge3A_113 = arith.cmpi sge, %add3A, %ge3A_112 : i32
    %convert_element_type3A_114 = arith.extui %ge3A_113 : i1 to i32
    %cond3A_115 = arith.constant 0 : i32
    %cond3A_116 = arith.cmpi ne, %convert_element_type3A_114, %cond3A_115 : i32
    scf.if %cond3A_116 {
      %sub3A = arith.constant 31 : i32
      %sub3A_163 = arith.subi %add3A, %sub3A : i32
      %mul3A_164 = arith.constant 84992 : i32
      %mul3A_165 = arith.muli %sub3A_163, %mul3A_164 : i32
      %mul3A_166 = arith.constant 1024 : i32
      %mul3A_167 = arith.muli %add3A_106, %mul3A_166 : i32
      %add3A_168 = arith.addi %mul3A_165, %mul3A_167 : i32
      %multiple_of3A_169 = tpu.assume_multiple %add3A_168, 8 : i32
      %dma_start3A_170 = arith.constant 0 : i32
      %dma_start3A_171 = tpu.memref_slice %arg10[%dma_start3A_170] : memref<2048xi32, #tpu.memory_space<vmem>> -> memref<1024xi32, #tpu.memory_space<vmem>>
      %dma_start3A_172 = tpu.memref_slice %arg6[%multiple_of3A_169] : memref<87040xi32, #tpu.memory_space<hbm>> -> memref<1024xi32, #tpu.memory_space<hbm>>
      %dma_start3A_173 = arith.constant 0 : i32
      %dma_start3A_174 = tpu.memref_slice %arg10[%dma_start3A_173] : memref<2048xi32, #tpu.memory_space<vmem>> -> memref<1024xi32, #tpu.memory_space<vmem>>
      %dma_start3A_175 = tpu.memref_slice %arg6[%multiple_of3A_169] : memref<87040xi32, #tpu.memory_space<hbm>> -> memref<1024xi32, #tpu.memory_space<hbm>>
      tpu.enqueue_dma source(%dma_start3A_175 : memref<1024xi32, #tpu.memory_space<hbm>>) target(%dma_start3A_174 : memref<1024xi32, #tpu.memory_space<vmem>>) target_semaphore(%arg18 : memref<!tpu.dma_semaphore, #tpu.memory_space<semaphore_mem>>)
      %dma_start3A_176 = arith.constant 1024 : i32
      %dma_start3A_177 = tpu.memref_slice %arg10[%dma_start3A_176] : memref<2048xi32, #tpu.memory_space<vmem>> -> memref<1024xi32, #tpu.memory_space<vmem>>
      %dma_start3A_178 = tpu.memref_slice %arg7[%multiple_of3A_169] : memref<87040xi32, #tpu.memory_space<hbm>> -> memref<1024xi32, #tpu.memory_space<hbm>>
      %dma_start3A_179 = arith.constant 1024 : i32
      %dma_start3A_180 = tpu.memref_slice %arg10[%dma_start3A_179] : memref<2048xi32, #tpu.memory_space<vmem>> -> memref<1024xi32, #tpu.memory_space<vmem>>
      %dma_start3A_181 = tpu.memref_slice %arg7[%multiple_of3A_169] : memref<87040xi32, #tpu.memory_space<hbm>> -> memref<1024xi32, #tpu.memory_space<hbm>>
      tpu.enqueue_dma source(%dma_start3A_181 : memref<1024xi32, #tpu.memory_space<hbm>>) target(%dma_start3A_180 : memref<1024xi32, #tpu.memory_space<vmem>>) target_semaphore(%arg18 : memref<!tpu.dma_semaphore, #tpu.memory_space<semaphore_mem>>)
      %dma_start3A_182 = tpu.memref_slice %arg8[%multiple_of3A_169] : memref<87040xf32, #tpu.memory_space<hbm>> -> memref<1024xf32, #tpu.memory_space<hbm>>
      %dma_start3A_183 = tpu.memref_slice %arg8[%multiple_of3A_169] : memref<87040xf32, #tpu.memory_space<hbm>> -> memref<1024xf32, #tpu.memory_space<hbm>>
      tpu.enqueue_dma source(%dma_start3A_183 : memref<1024xf32, #tpu.memory_space<hbm>>) target(%arg12 : memref<1024xf32, #tpu.memory_space<vmem>>) target_semaphore(%arg18 : memref<!tpu.dma_semaphore, #tpu.memory_space<semaphore_mem>>)
    } else {
    }
    %scan3A = arith.constant 0 : i32
    %scan3A_117 = arith.constant 41 : i32
    %scan3A_118 = arith.addi %scan3A, %scan3A_117 : i32
    %scan3A_119 = arith.constant 1 : i32
    %scan3A_120:16 = scf.for %scan3A_163 = %scan3A to %scan3A_118 step %scan3A_119 iter_args(%scan3A_164 = %parallel_loop3A_103#0, %scan3A_165 = %parallel_loop3A_103#1, %scan3A_166 = %parallel_loop3A_103#2, %scan3A_167 = %parallel_loop3A_103#3, %scan3A_168 = %parallel_loop3A_103#4, %scan3A_169 = %parallel_loop3A_103#5, %scan3A_170 = %parallel_loop3A_103#6, %scan3A_171 = %parallel_loop3A_103#7, %scan3A_172 = %parallel_loop3A_103#8, %scan3A_173 = %parallel_loop3A_103#9, %scan3A_174 = %parallel_loop3A_103#10, %scan3A_175 = %parallel_loop3A_103#11, %scan3A_176 = %parallel_loop3A_103#12, %scan3A_177 = %parallel_loop3A_103#13, %scan3A_178 = %parallel_loop3A_103#14, %scan3A_179 = %parallel_loop3A_103#15) -> (vector<16xf32>, vector<16xf32>, vector<16xf32>, vector<16xf32>, vector<16xf32>, vector<16xf32>, vector<16xf32>, vector<16xf32>, vector<16xf32>, vector<16xf32>, vector<16xf32>, vector<16xf32>, vector<16xf32>, vector<16xf32>, vector<16xf32>, vector<16xf32>)  : i32 {
      %mul3A_180 = arith.constant 2 : i32
      %mul3A_181 = arith.muli %mul3A_180, %scan3A_163 : i32
      %add3A_182 = arith.constant 1 : i32
      %add3A_183 = arith.addi %mul3A_181, %add3A_182 : i32
      %dma_wait3A_184 = arith.constant 0 : i32
      %dma_wait3A_185 = tpu.memref_slice %arg10[%dma_wait3A_184] : memref<2048xi32, #tpu.memory_space<vmem>> -> memref<1024xi32, #tpu.memory_space<vmem>>
      %dma_wait3A_186 = arith.constant 0 : i32
      %dma_wait3A_187 = tpu.memref_slice %arg3[%dma_wait3A_186] : memref<2716384xi32, #tpu.memory_space<hbm>> -> memref<1024xi32, #tpu.memory_space<hbm>>
      %dma_wait3A_188 = arith.constant 0 : i32
      %dma_wait3A_189 = tpu.memref_slice %arg10[%dma_wait3A_188] : memref<2048xi32, #tpu.memory_space<vmem>> -> memref<1024xi32, #tpu.memory_space<vmem>>
      %dma_wait3A_190 = arith.constant 0 : i32
      %dma_wait3A_191 = tpu.memref_slice %arg3[%dma_wait3A_190] : memref<2716384xi32, #tpu.memory_space<hbm>> -> memref<1024xi32, #tpu.memory_space<hbm>>
      tpu.wait_dma2 semaphore(%arg18 : memref<!tpu.dma_semaphore, #tpu.memory_space<semaphore_mem>>) src(%dma_wait3A_191 : memref<1024xi32, #tpu.memory_space<hbm>>) dst(%dma_wait3A_189 : memref<1024xi32, #tpu.memory_space<vmem>>)
      %dma_wait3A_192 = arith.constant 1024 : i32
      %dma_wait3A_193 = tpu.memref_slice %arg10[%dma_wait3A_192] : memref<2048xi32, #tpu.memory_space<vmem>> -> memref<1024xi32, #tpu.memory_space<vmem>>
      %dma_wait3A_194 = arith.constant 0 : i32
      %dma_wait3A_195 = tpu.memref_slice %arg4[%dma_wait3A_194] : memref<2716384xi32, #tpu.memory_space<hbm>> -> memref<1024xi32, #tpu.memory_space<hbm>>
      %dma_wait3A_196 = arith.constant 1024 : i32
      %dma_wait3A_197 = tpu.memref_slice %arg10[%dma_wait3A_196] : memref<2048xi32, #tpu.memory_space<vmem>> -> memref<1024xi32, #tpu.memory_space<vmem>>
      %dma_wait3A_198 = arith.constant 0 : i32
      %dma_wait3A_199 = tpu.memref_slice %arg4[%dma_wait3A_198] : memref<2716384xi32, #tpu.memory_space<hbm>> -> memref<1024xi32, #tpu.memory_space<hbm>>
      tpu.wait_dma2 semaphore(%arg18 : memref<!tpu.dma_semaphore, #tpu.memory_space<semaphore_mem>>) src(%dma_wait3A_199 : memref<1024xi32, #tpu.memory_space<hbm>>) dst(%dma_wait3A_197 : memref<1024xi32, #tpu.memory_space<vmem>>)
      %dma_wait3A_200 = arith.constant 0 : i32
      %dma_wait3A_201 = tpu.memref_slice %arg5[%dma_wait3A_200] : memref<2716384xf32, #tpu.memory_space<hbm>> -> memref<1024xf32, #tpu.memory_space<hbm>>
      %dma_wait3A_202 = arith.constant 0 : i32
      %dma_wait3A_203 = tpu.memref_slice %arg5[%dma_wait3A_202] : memref<2716384xf32, #tpu.memory_space<hbm>> -> memref<1024xf32, #tpu.memory_space<hbm>>
      tpu.wait_dma2 semaphore(%arg18 : memref<!tpu.dma_semaphore, #tpu.memory_space<semaphore_mem>>) src(%dma_wait3A_203 : memref<1024xf32, #tpu.memory_space<hbm>>) dst(%arg12 : memref<1024xf32, #tpu.memory_space<vmem>>)
      %dma_start3A_204 = arith.constant 0 : i32
      %dma_start3A_205 = arith.constant 0 : i32
      %dma_start3A_206 = tpu.memref_slice %arg17[%dma_start3A_204, %dma_start3A_205] : memref<16384x16xf32, #tpu.memory_space<vmem_shared>> -> memref<16384x16xf32, #tpu.memory_space<vmem_shared>>
      tpu.enqueue_indirect_dma source(%dma_start3A_206 : memref<16384x16xf32, #tpu.memory_space<vmem_shared>>) target(%arg14 : memref<2048x16xf32, #tpu.memory_space<vmem>>) offsets(%arg10 : memref<2048xi32, #tpu.memory_space<vmem>>) semaphore(%arg20 : memref<!tpu.dma_semaphore, #tpu.memory_space<semaphore_mem>>)
      %dma_wait3A_207 = arith.constant 0 : i32
      %dma_wait3A_208 = arith.constant 0 : i32
      %dma_wait3A_209 = tpu.memref_slice %arg17[%dma_wait3A_207, %dma_wait3A_208] : memref<16384x16xf32, #tpu.memory_space<vmem_shared>> -> memref<16384x16xf32, #tpu.memory_space<vmem_shared>>
      tpu.wait_indirect_dma semaphore(%arg21 : memref<!tpu.dma_semaphore, #tpu.memory_space<semaphore_mem>>) src(%dma_wait3A_209 : memref<16384x16xf32, #tpu.memory_space<vmem_shared>>) dst(%arg15 : memref<2048x16xf32, #tpu.memory_space<vmem>>)
      %parallel_loop3A_210 = arith.constant 0 : i32
      %parallel_loop3A_211 = arith.constant 1024 : i32
      %parallel_loop3A_212 = arith.constant 16 : i32
      %parallel_loop3A_213:16 = scf.for %parallel_loop3A_270 = %parallel_loop3A_210 to %parallel_loop3A_211 step %parallel_loop3A_212 iter_args(%parallel_loop3A_271 = %scan3A_164, %parallel_loop3A_272 = %scan3A_165, %parallel_loop3A_273 = %scan3A_166, %parallel_loop3A_274 = %scan3A_167, %parallel_loop3A_275 = %scan3A_168, %parallel_loop3A_276 = %scan3A_169, %parallel_loop3A_277 = %scan3A_170, %parallel_loop3A_278 = %scan3A_171, %parallel_loop3A_279 = %scan3A_172, %parallel_loop3A_280 = %scan3A_173, %parallel_loop3A_281 = %scan3A_174, %parallel_loop3A_282 = %scan3A_175, %parallel_loop3A_283 = %scan3A_176, %parallel_loop3A_284 = %scan3A_177, %parallel_loop3A_285 = %scan3A_178, %parallel_loop3A_286 = %scan3A_179) -> (vector<16xf32>, vector<16xf32>, vector<16xf32>, vector<16xf32>, vector<16xf32>, vector<16xf32>, vector<16xf32>, vector<16xf32>, vector<16xf32>, vector<16xf32>, vector<16xf32>, vector<16xf32>, vector<16xf32>, vector<16xf32>, vector<16xf32>, vector<16xf32>)  : i32 {
        %parallel_loop3A_287 = arith.index_cast %parallel_loop3A_270 : i32 to index
        %parallel_loop3A_288 = tpu.vector_load %arg13[%parallel_loop3A_287] {strides = array<i32>} : memref<1024xf32, #tpu.memory_space<vmem>>, vector<16xf32>,
        %parallel_loop3A_289 = vector.shape_cast %parallel_loop3A_288 : vector<16xf32> to vector<16xf32>
        %parallel_loop3A_290 = arith.constant 0 : i32
        %parallel_loop3A_291 = arith.addi %parallel_loop3A_270, %parallel_loop3A_290 : i32
        %parallel_loop3A_292 = arith.index_cast %parallel_loop3A_291 : i32 to index
        %parallel_loop3A_293 = arith.constant 0 : index
        %parallel_loop3A_294 = tpu.vector_load %arg15[%parallel_loop3A_292, %parallel_loop3A_293] {strides = array<i32>} : memref<2048x16xf32, #tpu.memory_space<vmem>>, vector<1x16xf32>,
        %parallel_loop3A_295 = vector.shape_cast %parallel_loop3A_294 : vector<1x16xf32> to vector<16xf32>
        %parallel_loop3A_296 = arith.constant 1024 : i32
        %parallel_loop3A_297 = arith.addi %parallel_loop3A_296, %parallel_loop3A_270 : i32
        %parallel_loop3A_298 = arith.constant 0 : i32
        %parallel_loop3A_299 = arith.addi %parallel_loop3A_297, %parallel_loop3A_298 : i32
        %parallel_loop3A_300 = arith.index_cast %parallel_loop3A_299 : i32 to index
        %parallel_loop3A_301 = arith.constant 0 : index
        %parallel_loop3A_302 = tpu.vector_load %arg15[%parallel_loop3A_300, %parallel_loop3A_301] {strides = array<i32>} : memref<2048x16xf32, #tpu.memory_space<vmem>>, vector<1x16xf32>,
        %parallel_loop3A_303 = vector.shape_cast %parallel_loop3A_302 : vector<1x16xf32> to vector<16xf32>
        %parallel_loop3A_304 = arith.mulf %parallel_loop3A_295, %parallel_loop3A_303 : vector<16xf32>
        %parallel_loop3A_305 = vector.extract_strided_slice %parallel_loop3A_289 {offsets = [0], sizes = [1], strides = [1]} : vector<16xf32> to vector<1xf32>
        %parallel_loop3A_306 = vector.extract %parallel_loop3A_305[0] : f32 from vector<1xf32>
        %parallel_loop3A_307 = vector.broadcast %parallel_loop3A_306 : f32 to vector<16xf32>
        %parallel_loop3A_308 = arith.mulf %parallel_loop3A_307, %parallel_loop3A_304 : vector<16xf32>
        %parallel_loop3A_309 = arith.addf %parallel_loop3A_271, %parallel_loop3A_308 : vector<16xf32>
        %parallel_loop3A_310 = arith.constant 1 : i32
        %parallel_loop3A_311 = arith.addi %parallel_loop3A_270, %parallel_loop3A_310 : i32
        %parallel_loop3A_312 = arith.index_cast %parallel_loop3A_311 : i32 to index
        %parallel_loop3A_313 = arith.constant 0 : index
        %parallel_loop3A_314 = tpu.vector_load %arg15[%parallel_loop3A_312, %parallel_loop3A_313] {strides = array<i32>} : memref<2048x16xf32, #tpu.memory_space<vmem>>, vector<1x16xf32>,
        %parallel_loop3A_315 = vector.shape_cast %parallel_loop3A_314 : vector<1x16xf32> to vector<16xf32>
        %parallel_loop3A_316 = arith.constant 1024 : i32
        %parallel_loop3A_317 = arith.addi %parallel_loop3A_316, %parallel_loop3A_270 : i32
        %parallel_loop3A_318 = arith.constant 1 : i32
        %parallel_loop3A_319 = arith.addi %parallel_loop3A_317, %parallel_loop3A_318 : i32
        %parallel_loop3A_320 = arith.index_cast %parallel_loop3A_319 : i32 to index
        %parallel_loop3A_321 = arith.constant 0 : index
        %parallel_loop3A_322 = tpu.vector_load %arg15[%parallel_loop3A_320, %parallel_loop3A_321] {strides = array<i32>} : memref<2048x16xf32, #tpu.memory_space<vmem>>, vector<1x16xf32>,
        %parallel_loop3A_323 = vector.shape_cast %parallel_loop3A_322 : vector<1x16xf32> to vector<16xf32>
        %parallel_loop3A_324 = arith.mulf %parallel_loop3A_315, %parallel_loop3A_323 : vector<16xf32>
        %parallel_loop3A_325 = vector.extract_strided_slice %parallel_loop3A_289 {offsets = [1], sizes = [1], strides = [1]} : vector<16xf32> to vector<1xf32>
        %parallel_loop3A_326 = vector.extract %parallel_loop3A_325[0] : f32 from vector<1xf32>
        %parallel_loop3A_327 = vector.broadcast %parallel_loop3A_326 : f32 to vector<16xf32>
        %parallel_loop3A_328 = arith.mulf %parallel_loop3A_327, %parallel_loop3A_324 : vector<16xf32>
        %parallel_loop3A_329 = arith.addf %parallel_loop3A_272, %parallel_loop3A_328 : vector<16xf32>
        %parallel_loop3A_330 = arith.constant 2 : i32
        %parallel_loop3A_331 = arith.addi %parallel_loop3A_270, %parallel_loop3A_330 : i32
        %parallel_loop3A_332 = arith.index_cast %parallel_loop3A_331 : i32 to index
        %parallel_loop3A_333 = arith.constant 0 : index
        %parallel_loop3A_334 = tpu.vector_load %arg15[%parallel_loop3A_332, %parallel_loop3A_333] {strides = array<i32>} : memref<2048x16xf32, #tpu.memory_space<vmem>>, vector<1x16xf32>,
        %parallel_loop3A_335 = vector.shape_cast %parallel_loop3A_334 : vector<1x16xf32> to vector<16xf32>
        %parallel_loop3A_336 = arith.constant 1024 : i32
        %parallel_loop3A_337 = arith.addi %parallel_loop3A_336, %parallel_loop3A_270 : i32
        %parallel_loop3A_338 = arith.constant 2 : i32
        %parallel_loop3A_339 = arith.addi %parallel_loop3A_337, %parallel_loop3A_338 : i32
        %parallel_loop3A_340 = arith.index_cast %parallel_loop3A_339 : i32 to index
        %parallel_loop3A_341 = arith.constant 0 : index
        %parallel_loop3A_342 = tpu.vector_load %arg15[%parallel_loop3A_340, %parallel_loop3A_341] {strides = array<i32>} : memref<2048x16xf32, #tpu.memory_space<vmem>>, vector<1x16xf32>,
        %parallel_loop3A_343 = vector.shape_cast %parallel_loop3A_342 : vector<1x16xf32> to vector<16xf32>
        %parallel_loop3A_344 = arith.mulf %parallel_loop3A_335, %parallel_loop3A_343 : vector<16xf32>
        %parallel_loop3A_345 = vector.extract_strided_slice %parallel_loop3A_289 {offsets = [2], sizes = [1], strides = [1]} : vector<16xf32> to vector<1xf32>
        %parallel_loop3A_346 = vector.extract %parallel_loop3A_345[0] : f32 from vector<1xf32>
        %parallel_loop3A_347 = vector.broadcast %parallel_loop3A_346 : f32 to vector<16xf32>
        %parallel_loop3A_348 = arith.mulf %parallel_loop3A_347, %parallel_loop3A_344 : vector<16xf32>
        %parallel_loop3A_349 = arith.addf %parallel_loop3A_273, %parallel_loop3A_348 : vector<16xf32>
        %parallel_loop3A_350 = arith.constant 3 : i32
        %parallel_loop3A_351 = arith.addi %parallel_loop3A_270, %parallel_loop3A_350 : i32
        %parallel_loop3A_352 = arith.index_cast %parallel_loop3A_351 : i32 to index
        %parallel_loop3A_353 = arith.constant 0 : index
        %parallel_loop3A_354 = tpu.vector_load %arg15[%parallel_loop3A_352, %parallel_loop3A_353] {strides = array<i32>} : memref<2048x16xf32, #tpu.memory_space<vmem>>, vector<1x16xf32>,
        %parallel_loop3A_355 = vector.shape_cast %parallel_loop3A_354 : vector<1x16xf32> to vector<16xf32>
        %parallel_loop3A_356 = arith.constant 1024 : i32
        %parallel_loop3A_357 = arith.addi %parallel_loop3A_356, %parallel_loop3A_270 : i32
        %parallel_loop3A_358 = arith.constant 3 : i32
        %parallel_loop3A_359 = arith.addi %parallel_loop3A_357, %parallel_loop3A_358 : i32
        %parallel_loop3A_360 = arith.index_cast %parallel_loop3A_359 : i32 to index
        %parallel_loop3A_361 = arith.constant 0 : index
        %parallel_loop3A_362 = tpu.vector_load %arg15[%parallel_loop3A_360, %parallel_loop3A_361] {strides = array<i32>} : memref<2048x16xf32, #tpu.memory_space<vmem>>, vector<1x16xf32>,
        %parallel_loop3A_363 = vector.shape_cast %parallel_loop3A_362 : vector<1x16xf32> to vector<16xf32>
        %parallel_loop3A_364 = arith.mulf %parallel_loop3A_355, %parallel_loop3A_363 : vector<16xf32>
        %parallel_loop3A_365 = vector.extract_strided_slice %parallel_loop3A_289 {offsets = [3], sizes = [1], strides = [1]} : vector<16xf32> to vector<1xf32>
        %parallel_loop3A_366 = vector.extract %parallel_loop3A_365[0] : f32 from vector<1xf32>
        %parallel_loop3A_367 = vector.broadcast %parallel_loop3A_366 : f32 to vector<16xf32>
        %parallel_loop3A_368 = arith.mulf %parallel_loop3A_367, %parallel_loop3A_364 : vector<16xf32>
        %parallel_loop3A_369 = arith.addf %parallel_loop3A_274, %parallel_loop3A_368 : vector<16xf32>
        %parallel_loop3A_370 = arith.constant 4 : i32
        %parallel_loop3A_371 = arith.addi %parallel_loop3A_270, %parallel_loop3A_370 : i32
        %parallel_loop3A_372 = arith.index_cast %parallel_loop3A_371 : i32 to index
        %parallel_loop3A_373 = arith.constant 0 : index
        %parallel_loop3A_374 = tpu.vector_load %arg15[%parallel_loop3A_372, %parallel_loop3A_373] {strides = array<i32>} : memref<2048x16xf32, #tpu.memory_space<vmem>>, vector<1x16xf32>,
        %parallel_loop3A_375 = vector.shape_cast %parallel_loop3A_374 : vector<1x16xf32> to vector<16xf32>
        %parallel_loop3A_376 = arith.constant 1024 : i32
        %parallel_loop3A_377 = arith.addi %parallel_loop3A_376, %parallel_loop3A_270 : i32
        %parallel_loop3A_378 = arith.constant 4 : i32
        %parallel_loop3A_379 = arith.addi %parallel_loop3A_377, %parallel_loop3A_378 : i32
        %parallel_loop3A_380 = arith.index_cast %parallel_loop3A_379 : i32 to index
        %parallel_loop3A_381 = arith.constant 0 : index
        %parallel_loop3A_382 = tpu.vector_load %arg15[%parallel_loop3A_380, %parallel_loop3A_381] {strides = array<i32>} : memref<2048x16xf32, #tpu.memory_space<vmem>>, vector<1x16xf32>,
        %parallel_loop3A_383 = vector.shape_cast %parallel_loop3A_382 : vector<1x16xf32> to vector<16xf32>
        %parallel_loop3A_384 = arith.mulf %parallel_loop3A_375, %parallel_loop3A_383 : vector<16xf32>
        %parallel_loop3A_385 = vector.extract_strided_slice %parallel_loop3A_289 {offsets = [4], sizes = [1], strides = [1]} : vector<16xf32> to vector<1xf32>
        %parallel_loop3A_386 = vector.extract %parallel_loop3A_385[0] : f32 from vector<1xf32>
        %parallel_loop3A_387 = vector.broadcast %parallel_loop3A_386 : f32 to vector<16xf32>
        %parallel_loop3A_388 = arith.mulf %parallel_loop3A_387, %parallel_loop3A_384 : vector<16xf32>
        %parallel_loop3A_389 = arith.addf %parallel_loop3A_275, %parallel_loop3A_388 : vector<16xf32>
        %parallel_loop3A_390 = arith.constant 5 : i32
        %parallel_loop3A_391 = arith.addi %parallel_loop3A_270, %parallel_loop3A_390 : i32
        %parallel_loop3A_392 = arith.index_cast %parallel_loop3A_391 : i32 to index
        %parallel_loop3A_393 = arith.constant 0 : index
        %parallel_loop3A_394 = tpu.vector_load %arg15[%parallel_loop3A_392, %parallel_loop3A_393] {strides = array<i32>} : memref<2048x16xf32, #tpu.memory_space<vmem>>, vector<1x16xf32>,
        %parallel_loop3A_395 = vector.shape_cast %parallel_loop3A_394 : vector<1x16xf32> to vector<16xf32>
        %parallel_loop3A_396 = arith.constant 1024 : i32
        %parallel_loop3A_397 = arith.addi %parallel_loop3A_396, %parallel_loop3A_270 : i32
        %parallel_loop3A_398 = arith.constant 5 : i32
        %parallel_loop3A_399 = arith.addi %parallel_loop3A_397, %parallel_loop3A_398 : i32
        %parallel_loop3A_400 = arith.index_cast %parallel_loop3A_399 : i32 to index
        %parallel_loop3A_401 = arith.constant 0 : index
        %parallel_loop3A_402 = tpu.vector_load %arg15[%parallel_loop3A_400, %parallel_loop3A_401] {strides = array<i32>} : memref<2048x16xf32, #tpu.memory_space<vmem>>, vector<1x16xf32>,
        %parallel_loop3A_403 = vector.shape_cast %parallel_loop3A_402 : vector<1x16xf32> to vector<16xf32>
        %parallel_loop3A_404 = arith.mulf %parallel_loop3A_395, %parallel_loop3A_403 : vector<16xf32>
        %parallel_loop3A_405 = vector.extract_strided_slice %parallel_loop3A_289 {offsets = [5], sizes = [1], strides = [1]} : vector<16xf32> to vector<1xf32>
        %parallel_loop3A_406 = vector.extract %parallel_loop3A_405[0] : f32 from vector<1xf32>
        %parallel_loop3A_407 = vector.broadcast %parallel_loop3A_406 : f32 to vector<16xf32>
        %parallel_loop3A_408 = arith.mulf %parallel_loop3A_407, %parallel_loop3A_404 : vector<16xf32>
        %parallel_loop3A_409 = arith.addf %parallel_loop3A_276, %parallel_loop3A_408 : vector<16xf32>
        %parallel_loop3A_410 = arith.constant 6 : i32
        %parallel_loop3A_411 = arith.addi %parallel_loop3A_270, %parallel_loop3A_410 : i32
        %parallel_loop3A_412 = arith.index_cast %parallel_loop3A_411 : i32 to index
        %parallel_loop3A_413 = arith.constant 0 : index
        %parallel_loop3A_414 = tpu.vector_load %arg15[%parallel_loop3A_412, %parallel_loop3A_413] {strides = array<i32>} : memref<2048x16xf32, #tpu.memory_space<vmem>>, vector<1x16xf32>,
        %parallel_loop3A_415 = vector.shape_cast %parallel_loop3A_414 : vector<1x16xf32> to vector<16xf32>
        %parallel_loop3A_416 = arith.constant 1024 : i32
        %parallel_loop3A_417 = arith.addi %parallel_loop3A_416, %parallel_loop3A_270 : i32
        %parallel_loop3A_418 = arith.constant 6 : i32
        %parallel_loop3A_419 = arith.addi %parallel_loop3A_417, %parallel_loop3A_418 : i32
        %parallel_loop3A_420 = arith.index_cast %parallel_loop3A_419 : i32 to index
        %parallel_loop3A_421 = arith.constant 0 : index
        %parallel_loop3A_422 = tpu.vector_load %arg15[%parallel_loop3A_420, %parallel_loop3A_421] {strides = array<i32>} : memref<2048x16xf32, #tpu.memory_space<vmem>>, vector<1x16xf32>,
        %parallel_loop3A_423 = vector.shape_cast %parallel_loop3A_422 : vector<1x16xf32> to vector<16xf32>
        %parallel_loop3A_424 = arith.mulf %parallel_loop3A_415, %parallel_loop3A_423 : vector<16xf32>
        %parallel_loop3A_425 = vector.extract_strided_slice %parallel_loop3A_289 {offsets = [6], sizes = [1], strides = [1]} : vector<16xf32> to vector<1xf32>
        %parallel_loop3A_426 = vector.extract %parallel_loop3A_425[0] : f32 from vector<1xf32>
        %parallel_loop3A_427 = vector.broadcast %parallel_loop3A_426 : f32 to vector<16xf32>
        %parallel_loop3A_428 = arith.mulf %parallel_loop3A_427, %parallel_loop3A_424 : vector<16xf32>
        %parallel_loop3A_429 = arith.addf %parallel_loop3A_277, %parallel_loop3A_428 : vector<16xf32>
        %parallel_loop3A_430 = arith.constant 7 : i32
        %parallel_loop3A_431 = arith.addi %parallel_loop3A_270, %parallel_loop3A_430 : i32
        %parallel_loop3A_432 = arith.index_cast %parallel_loop3A_431 : i32 to index
        %parallel_loop3A_433 = arith.constant 0 : index
        %parallel_loop3A_434 = tpu.vector_load %arg15[%parallel_loop3A_432, %parallel_loop3A_433] {strides = array<i32>} : memref<2048x16xf32, #tpu.memory_space<vmem>>, vector<1x16xf32>,
        %parallel_loop3A_435 = vector.shape_cast %parallel_loop3A_434 : vector<1x16xf32> to vector<16xf32>
        %parallel_loop3A_436 = arith.constant 1024 : i32
        %parallel_loop3A_437 = arith.addi %parallel_loop3A_436, %parallel_loop3A_270 : i32
        %parallel_loop3A_438 = arith.constant 7 : i32
        %parallel_loop3A_439 = arith.addi %parallel_loop3A_437, %parallel_loop3A_438 : i32
        %parallel_loop3A_440 = arith.index_cast %parallel_loop3A_439 : i32 to index
        %parallel_loop3A_441 = arith.constant 0 : index
        %parallel_loop3A_442 = tpu.vector_load %arg15[%parallel_loop3A_440, %parallel_loop3A_441] {strides = array<i32>} : memref<2048x16xf32, #tpu.memory_space<vmem>>, vector<1x16xf32>,
        %parallel_loop3A_443 = vector.shape_cast %parallel_loop3A_442 : vector<1x16xf32> to vector<16xf32>
        %parallel_loop3A_444 = arith.mulf %parallel_loop3A_435, %parallel_loop3A_443 : vector<16xf32>
        %parallel_loop3A_445 = vector.extract_strided_slice %parallel_loop3A_289 {offsets = [7], sizes = [1], strides = [1]} : vector<16xf32> to vector<1xf32>
        %parallel_loop3A_446 = vector.extract %parallel_loop3A_445[0] : f32 from vector<1xf32>
        %parallel_loop3A_447 = vector.broadcast %parallel_loop3A_446 : f32 to vector<16xf32>
        %parallel_loop3A_448 = arith.mulf %parallel_loop3A_447, %parallel_loop3A_444 : vector<16xf32>
        %parallel_loop3A_449 = arith.addf %parallel_loop3A_278, %parallel_loop3A_448 : vector<16xf32>
        %parallel_loop3A_450 = arith.constant 8 : i32
        %parallel_loop3A_451 = arith.addi %parallel_loop3A_270, %parallel_loop3A_450 : i32
        %parallel_loop3A_452 = arith.index_cast %parallel_loop3A_451 : i32 to index
        %parallel_loop3A_453 = arith.constant 0 : index
        %parallel_loop3A_454 = tpu.vector_load %arg15[%parallel_loop3A_452, %parallel_loop3A_453] {strides = array<i32>} : memref<2048x16xf32, #tpu.memory_space<vmem>>, vector<1x16xf32>,
        %parallel_loop3A_455 = vector.shape_cast %parallel_loop3A_454 : vector<1x16xf32> to vector<16xf32>
        %parallel_loop3A_456 = arith.constant 1024 : i32
        %parallel_loop3A_457 = arith.addi %parallel_loop3A_456, %parallel_loop3A_270 : i32
        %parallel_loop3A_458 = arith.constant 8 : i32
        %parallel_loop3A_459 = arith.addi %parallel_loop3A_457, %parallel_loop3A_458 : i32
        %parallel_loop3A_460 = arith.index_cast %parallel_loop3A_459 : i32 to index
        %parallel_loop3A_461 = arith.constant 0 : index
        %parallel_loop3A_462 = tpu.vector_load %arg15[%parallel_loop3A_460, %parallel_loop3A_461] {strides = array<i32>} : memref<2048x16xf32, #tpu.memory_space<vmem>>, vector<1x16xf32>,
        %parallel_loop3A_463 = vector.shape_cast %parallel_loop3A_462 : vector<1x16xf32> to vector<16xf32>
        %parallel_loop3A_464 = arith.mulf %parallel_loop3A_455, %parallel_loop3A_463 : vector<16xf32>
        %parallel_loop3A_465 = vector.extract_strided_slice %parallel_loop3A_289 {offsets = [8], sizes = [1], strides = [1]} : vector<16xf32> to vector<1xf32>
        %parallel_loop3A_466 = vector.extract %parallel_loop3A_465[0] : f32 from vector<1xf32>
        %parallel_loop3A_467 = vector.broadcast %parallel_loop3A_466 : f32 to vector<16xf32>
        %parallel_loop3A_468 = arith.mulf %parallel_loop3A_467, %parallel_loop3A_464 : vector<16xf32>
        %parallel_loop3A_469 = arith.addf %parallel_loop3A_279, %parallel_loop3A_468 : vector<16xf32>
        %parallel_loop3A_470 = arith.constant 9 : i32
        %parallel_loop3A_471 = arith.addi %parallel_loop3A_270, %parallel_loop3A_470 : i32
        %parallel_loop3A_472 = arith.index_cast %parallel_loop3A_471 : i32 to index
        %parallel_loop3A_473 = arith.constant 0 : index
        %parallel_loop3A_474 = tpu.vector_load %arg15[%parallel_loop3A_472, %parallel_loop3A_473] {strides = array<i32>} : memref<2048x16xf32, #tpu.memory_space<vmem>>, vector<1x16xf32>,
        %parallel_loop3A_475 = vector.shape_cast %parallel_loop3A_474 : vector<1x16xf32> to vector<16xf32>
        %parallel_loop3A_476 = arith.constant 1024 : i32
        %parallel_loop3A_477 = arith.addi %parallel_loop3A_476, %parallel_loop3A_270 : i32
        %parallel_loop3A_478 = arith.constant 9 : i32
        %parallel_loop3A_479 = arith.addi %parallel_loop3A_477, %parallel_loop3A_478 : i32
        %parallel_loop3A_480 = arith.index_cast %parallel_loop3A_479 : i32 to index
        %parallel_loop3A_481 = arith.constant 0 : index
        %parallel_loop3A_482 = tpu.vector_load %arg15[%parallel_loop3A_480, %parallel_loop3A_481] {strides = array<i32>} : memref<2048x16xf32, #tpu.memory_space<vmem>>, vector<1x16xf32>,
        %parallel_loop3A_483 = vector.shape_cast %parallel_loop3A_482 : vector<1x16xf32> to vector<16xf32>
        %parallel_loop3A_484 = arith.mulf %parallel_loop3A_475, %parallel_loop3A_483 : vector<16xf32>
        %parallel_loop3A_485 = vector.extract_strided_slice %parallel_loop3A_289 {offsets = [9], sizes = [1], strides = [1]} : vector<16xf32> to vector<1xf32>
        %parallel_loop3A_486 = vector.extract %parallel_loop3A_485[0] : f32 from vector<1xf32>
        %parallel_loop3A_487 = vector.broadcast %parallel_loop3A_486 : f32 to vector<16xf32>
        %parallel_loop3A_488 = arith.mulf %parallel_loop3A_487, %parallel_loop3A_484 : vector<16xf32>
        %parallel_loop3A_489 = arith.addf %parallel_loop3A_280, %parallel_loop3A_488 : vector<16xf32>
        %parallel_loop3A_490 = arith.constant 10 : i32
        %parallel_loop3A_491 = arith.addi %parallel_loop3A_270, %parallel_loop3A_490 : i32
        %parallel_loop3A_492 = arith.index_cast %parallel_loop3A_491 : i32 to index
        %parallel_loop3A_493 = arith.constant 0 : index
        %parallel_loop3A_494 = tpu.vector_load %arg15[%parallel_loop3A_492, %parallel_loop3A_493] {strides = array<i32>} : memref<2048x16xf32, #tpu.memory_space<vmem>>, vector<1x16xf32>,
        %parallel_loop3A_495 = vector.shape_cast %parallel_loop3A_494 : vector<1x16xf32> to vector<16xf32>
        %parallel_loop3A_496 = arith.constant 1024 : i32
        %parallel_loop3A_497 = arith.addi %parallel_loop3A_496, %parallel_loop3A_270 : i32
        %parallel_loop3A_498 = arith.constant 10 : i32
        %parallel_loop3A_499 = arith.addi %parallel_loop3A_497, %parallel_loop3A_498 : i32
        %parallel_loop3A_500 = arith.index_cast %parallel_loop3A_499 : i32 to index
        %parallel_loop3A_501 = arith.constant 0 : index
        %parallel_loop3A_502 = tpu.vector_load %arg15[%parallel_loop3A_500, %parallel_loop3A_501] {strides = array<i32>} : memref<2048x16xf32, #tpu.memory_space<vmem>>, vector<1x16xf32>,
        %parallel_loop3A_503 = vector.shape_cast %parallel_loop3A_502 : vector<1x16xf32> to vector<16xf32>
        %parallel_loop3A_504 = arith.mulf %parallel_loop3A_495, %parallel_loop3A_503 : vector<16xf32>
        %parallel_loop3A_505 = vector.extract_strided_slice %parallel_loop3A_289 {offsets = [10], sizes = [1], strides = [1]} : vector<16xf32> to vector<1xf32>
        %parallel_loop3A_506 = vector.extract %parallel_loop3A_505[0] : f32 from vector<1xf32>
        %parallel_loop3A_507 = vector.broadcast %parallel_loop3A_506 : f32 to vector<16xf32>
        %parallel_loop3A_508 = arith.mulf %parallel_loop3A_507, %parallel_loop3A_504 : vector<16xf32>
        %parallel_loop3A_509 = arith.addf %parallel_loop3A_281, %parallel_loop3A_508 : vector<16xf32>
        %parallel_loop3A_510 = arith.constant 11 : i32
        %parallel_loop3A_511 = arith.addi %parallel_loop3A_270, %parallel_loop3A_510 : i32
        %parallel_loop3A_512 = arith.index_cast %parallel_loop3A_511 : i32 to index
        %parallel_loop3A_513 = arith.constant 0 : index
        %parallel_loop3A_514 = tpu.vector_load %arg15[%parallel_loop3A_512, %parallel_loop3A_513] {strides = array<i32>} : memref<2048x16xf32, #tpu.memory_space<vmem>>, vector<1x16xf32>,
        %parallel_loop3A_515 = vector.shape_cast %parallel_loop3A_514 : vector<1x16xf32> to vector<16xf32>
        %parallel_loop3A_516 = arith.constant 1024 : i32
        %parallel_loop3A_517 = arith.addi %parallel_loop3A_516, %parallel_loop3A_270 : i32
        %parallel_loop3A_518 = arith.constant 11 : i32
        %parallel_loop3A_519 = arith.addi %parallel_loop3A_517, %parallel_loop3A_518 : i32
        %parallel_loop3A_520 = arith.index_cast %parallel_loop3A_519 : i32 to index
        %parallel_loop3A_521 = arith.constant 0 : index
        %parallel_loop3A_522 = tpu.vector_load %arg15[%parallel_loop3A_520, %parallel_loop3A_521] {strides = array<i32>} : memref<2048x16xf32, #tpu.memory_space<vmem>>, vector<1x16xf32>,
        %parallel_loop3A_523 = vector.shape_cast %parallel_loop3A_522 : vector<1x16xf32> to vector<16xf32>
        %parallel_loop3A_524 = arith.mulf %parallel_loop3A_515, %parallel_loop3A_523 : vector<16xf32>
        %parallel_loop3A_525 = vector.extract_strided_slice %parallel_loop3A_289 {offsets = [11], sizes = [1], strides = [1]} : vector<16xf32> to vector<1xf32>
        %parallel_loop3A_526 = vector.extract %parallel_loop3A_525[0] : f32 from vector<1xf32>
        %parallel_loop3A_527 = vector.broadcast %parallel_loop3A_526 : f32 to vector<16xf32>
        %parallel_loop3A_528 = arith.mulf %parallel_loop3A_527, %parallel_loop3A_524 : vector<16xf32>
        %parallel_loop3A_529 = arith.addf %parallel_loop3A_282, %parallel_loop3A_528 : vector<16xf32>
        %parallel_loop3A_530 = arith.constant 12 : i32
        %parallel_loop3A_531 = arith.addi %parallel_loop3A_270, %parallel_loop3A_530 : i32
        %parallel_loop3A_532 = arith.index_cast %parallel_loop3A_531 : i32 to index
        %parallel_loop3A_533 = arith.constant 0 : index
        %parallel_loop3A_534 = tpu.vector_load %arg15[%parallel_loop3A_532, %parallel_loop3A_533] {strides = array<i32>} : memref<2048x16xf32, #tpu.memory_space<vmem>>, vector<1x16xf32>,
        %parallel_loop3A_535 = vector.shape_cast %parallel_loop3A_534 : vector<1x16xf32> to vector<16xf32>
        %parallel_loop3A_536 = arith.constant 1024 : i32
        %parallel_loop3A_537 = arith.addi %parallel_loop3A_536, %parallel_loop3A_270 : i32
        %parallel_loop3A_538 = arith.constant 12 : i32
        %parallel_loop3A_539 = arith.addi %parallel_loop3A_537, %parallel_loop3A_538 : i32
        %parallel_loop3A_540 = arith.index_cast %parallel_loop3A_539 : i32 to index
        %parallel_loop3A_541 = arith.constant 0 : index
        %parallel_loop3A_542 = tpu.vector_load %arg15[%parallel_loop3A_540, %parallel_loop3A_541] {strides = array<i32>} : memref<2048x16xf32, #tpu.memory_space<vmem>>, vector<1x16xf32>,
        %parallel_loop3A_543 = vector.shape_cast %parallel_loop3A_542 : vector<1x16xf32> to vector<16xf32>
        %parallel_loop3A_544 = arith.mulf %parallel_loop3A_535, %parallel_loop3A_543 : vector<16xf32>
        %parallel_loop3A_545 = vector.extract_strided_slice %parallel_loop3A_289 {offsets = [12], sizes = [1], strides = [1]} : vector<16xf32> to vector<1xf32>
        %parallel_loop3A_546 = vector.extract %parallel_loop3A_545[0] : f32 from vector<1xf32>
        %parallel_loop3A_547 = vector.broadcast %parallel_loop3A_546 : f32 to vector<16xf32>
        %parallel_loop3A_548 = arith.mulf %parallel_loop3A_547, %parallel_loop3A_544 : vector<16xf32>
        %parallel_loop3A_549 = arith.addf %parallel_loop3A_283, %parallel_loop3A_548 : vector<16xf32>
        %parallel_loop3A_550 = arith.constant 13 : i32
        %parallel_loop3A_551 = arith.addi %parallel_loop3A_270, %parallel_loop3A_550 : i32
        %parallel_loop3A_552 = arith.index_cast %parallel_loop3A_551 : i32 to index
        %parallel_loop3A_553 = arith.constant 0 : index
        %parallel_loop3A_554 = tpu.vector_load %arg15[%parallel_loop3A_552, %parallel_loop3A_553] {strides = array<i32>} : memref<2048x16xf32, #tpu.memory_space<vmem>>, vector<1x16xf32>,
        %parallel_loop3A_555 = vector.shape_cast %parallel_loop3A_554 : vector<1x16xf32> to vector<16xf32>
        %parallel_loop3A_556 = arith.constant 1024 : i32
        %parallel_loop3A_557 = arith.addi %parallel_loop3A_556, %parallel_loop3A_270 : i32
        %parallel_loop3A_558 = arith.constant 13 : i32
        %parallel_loop3A_559 = arith.addi %parallel_loop3A_557, %parallel_loop3A_558 : i32
        %parallel_loop3A_560 = arith.index_cast %parallel_loop3A_559 : i32 to index
        %parallel_loop3A_561 = arith.constant 0 : index
        %parallel_loop3A_562 = tpu.vector_load %arg15[%parallel_loop3A_560, %parallel_loop3A_561] {strides = array<i32>} : memref<2048x16xf32, #tpu.memory_space<vmem>>, vector<1x16xf32>,
        %parallel_loop3A_563 = vector.shape_cast %parallel_loop3A_562 : vector<1x16xf32> to vector<16xf32>
        %parallel_loop3A_564 = arith.mulf %parallel_loop3A_555, %parallel_loop3A_563 : vector<16xf32>
        %parallel_loop3A_565 = vector.extract_strided_slice %parallel_loop3A_289 {offsets = [13], sizes = [1], strides = [1]} : vector<16xf32> to vector<1xf32>
        %parallel_loop3A_566 = vector.extract %parallel_loop3A_565[0] : f32 from vector<1xf32>
        %parallel_loop3A_567 = vector.broadcast %parallel_loop3A_566 : f32 to vector<16xf32>
        %parallel_loop3A_568 = arith.mulf %parallel_loop3A_567, %parallel_loop3A_564 : vector<16xf32>
        %parallel_loop3A_569 = arith.addf %parallel_loop3A_284, %parallel_loop3A_568 : vector<16xf32>
        %parallel_loop3A_570 = arith.constant 14 : i32
        %parallel_loop3A_571 = arith.addi %parallel_loop3A_270, %parallel_loop3A_570 : i32
        %parallel_loop3A_572 = arith.index_cast %parallel_loop3A_571 : i32 to index
        %parallel_loop3A_573 = arith.constant 0 : index
        %parallel_loop3A_574 = tpu.vector_load %arg15[%parallel_loop3A_572, %parallel_loop3A_573] {strides = array<i32>} : memref<2048x16xf32, #tpu.memory_space<vmem>>, vector<1x16xf32>,
        %parallel_loop3A_575 = vector.shape_cast %parallel_loop3A_574 : vector<1x16xf32> to vector<16xf32>
        %parallel_loop3A_576 = arith.constant 1024 : i32
        %parallel_loop3A_577 = arith.addi %parallel_loop3A_576, %parallel_loop3A_270 : i32
        %parallel_loop3A_578 = arith.constant 14 : i32
        %parallel_loop3A_579 = arith.addi %parallel_loop3A_577, %parallel_loop3A_578 : i32
        %parallel_loop3A_580 = arith.index_cast %parallel_loop3A_579 : i32 to index
        %parallel_loop3A_581 = arith.constant 0 : index
        %parallel_loop3A_582 = tpu.vector_load %arg15[%parallel_loop3A_580, %parallel_loop3A_581] {strides = array<i32>} : memref<2048x16xf32, #tpu.memory_space<vmem>>, vector<1x16xf32>,
        %parallel_loop3A_583 = vector.shape_cast %parallel_loop3A_582 : vector<1x16xf32> to vector<16xf32>
        %parallel_loop3A_584 = arith.mulf %parallel_loop3A_575, %parallel_loop3A_583 : vector<16xf32>
        %parallel_loop3A_585 = vector.extract_strided_slice %parallel_loop3A_289 {offsets = [14], sizes = [1], strides = [1]} : vector<16xf32> to vector<1xf32>
        %parallel_loop3A_586 = vector.extract %parallel_loop3A_585[0] : f32 from vector<1xf32>
        %parallel_loop3A_587 = vector.broadcast %parallel_loop3A_586 : f32 to vector<16xf32>
        %parallel_loop3A_588 = arith.mulf %parallel_loop3A_587, %parallel_loop3A_584 : vector<16xf32>
        %parallel_loop3A_589 = arith.addf %parallel_loop3A_285, %parallel_loop3A_588 : vector<16xf32>
        %parallel_loop3A_590 = arith.constant 15 : i32
        %parallel_loop3A_591 = arith.addi %parallel_loop3A_270, %parallel_loop3A_590 : i32
        %parallel_loop3A_592 = arith.index_cast %parallel_loop3A_591 : i32 to index
        %parallel_loop3A_593 = arith.constant 0 : index
        %parallel_loop3A_594 = tpu.vector_load %arg15[%parallel_loop3A_592, %parallel_loop3A_593] {strides = array<i32>} : memref<2048x16xf32, #tpu.memory_space<vmem>>, vector<1x16xf32>,
        %parallel_loop3A_595 = vector.shape_cast %parallel_loop3A_594 : vector<1x16xf32> to vector<16xf32>
        %parallel_loop3A_596 = arith.constant 1024 : i32
        %parallel_loop3A_597 = arith.addi %parallel_loop3A_596, %parallel_loop3A_270 : i32
        %parallel_loop3A_598 = arith.constant 15 : i32
        %parallel_loop3A_599 = arith.addi %parallel_loop3A_597, %parallel_loop3A_598 : i32
        %parallel_loop3A_600 = arith.index_cast %parallel_loop3A_599 : i32 to index
        %parallel_loop3A_601 = arith.constant 0 : index
        %parallel_loop3A_602 = tpu.vector_load %arg15[%parallel_loop3A_600, %parallel_loop3A_601] {strides = array<i32>} : memref<2048x16xf32, #tpu.memory_space<vmem>>, vector<1x16xf32>,
        %parallel_loop3A_603 = vector.shape_cast %parallel_loop3A_602 : vector<1x16xf32> to vector<16xf32>
        %parallel_loop3A_604 = arith.mulf %parallel_loop3A_595, %parallel_loop3A_603 : vector<16xf32>
        %parallel_loop3A_605 = vector.extract_strided_slice %parallel_loop3A_289 {offsets = [15], sizes = [1], strides = [1]} : vector<16xf32> to vector<1xf32>
        %parallel_loop3A_606 = vector.extract %parallel_loop3A_605[0] : f32 from vector<1xf32>
        %parallel_loop3A_607 = vector.broadcast %parallel_loop3A_606 : f32 to vector<16xf32>
        %parallel_loop3A_608 = arith.mulf %parallel_loop3A_607, %parallel_loop3A_604 : vector<16xf32>
        %parallel_loop3A_609 = arith.addf %parallel_loop3A_286, %parallel_loop3A_608 : vector<16xf32>
        scf.yield %parallel_loop3A_309, %parallel_loop3A_329, %parallel_loop3A_349, %parallel_loop3A_369, %parallel_loop3A_389, %parallel_loop3A_409, %parallel_loop3A_429, %parallel_loop3A_449, %parallel_loop3A_469, %parallel_loop3A_489, %parallel_loop3A_509, %parallel_loop3A_529, %parallel_loop3A_549, %parallel_loop3A_569, %parallel_loop3A_589, %parallel_loop3A_609 : vector<16xf32>, vector<16xf32>, vector<16xf32>, vector<16xf32>, vector<16xf32>, vector<16xf32>, vector<16xf32>, vector<16xf32>, vector<16xf32>, vector<16xf32>, vector<16xf32>, vector<16xf32>, vector<16xf32>, vector<16xf32>, vector<16xf32>, vector<16xf32>
      } {sc.loop_unroll_factor = 1 : i64, sc.parallel_access}
      %add3A_214 = arith.constant 2 : i32
      %add3A_215 = arith.addi %add3A_183, %add3A_214 : i32
      %lt3A_216 = arith.constant 31 : i32
      %lt3A_217 = arith.cmpi slt, %add3A, %lt3A_216 : i32
      %convert_element_type3A_218 = arith.extui %lt3A_217 : i1 to i32
      %cond3A_219 = arith.constant 0 : i32
      %cond3A_220 = arith.cmpi ne, %convert_element_type3A_218, %cond3A_219 : i32
      scf.if %cond3A_220 {
        %mul3A_270 = arith.constant 1024 : i32
        %mul3A_271 = arith.muli %add3A_215, %mul3A_270 : i32
        %add3A_272 = arith.addi %multiple_of3A, %mul3A_271 : i32
        %multiple_of3A_273 = tpu.assume_multiple %add3A_272, 8 : i32
        %dma_start3A_274 = arith.constant 0 : i32
        %dma_start3A_275 = tpu.memref_slice %arg11[%dma_start3A_274] : memref<2048xi32, #tpu.memory_space<vmem>> -> memref<1024xi32, #tpu.memory_space<vmem>>
        %dma_start3A_276 = tpu.memref_slice %arg3[%multiple_of3A_273] : memref<2716384xi32, #tpu.memory_space<hbm>> -> memref<1024xi32, #tpu.memory_space<hbm>>
        %dma_start3A_277 = arith.constant 0 : i32
        %dma_start3A_278 = tpu.memref_slice %arg11[%dma_start3A_277] : memref<2048xi32, #tpu.memory_space<vmem>> -> memref<1024xi32, #tpu.memory_space<vmem>>
        %dma_start3A_279 = tpu.memref_slice %arg3[%multiple_of3A_273] : memref<2716384xi32, #tpu.memory_space<hbm>> -> memref<1024xi32, #tpu.memory_space<hbm>>
        tpu.enqueue_dma source(%dma_start3A_279 : memref<1024xi32, #tpu.memory_space<hbm>>) target(%dma_start3A_278 : memref<1024xi32, #tpu.memory_space<vmem>>) target_semaphore(%arg19 : memref<!tpu.dma_semaphore, #tpu.memory_space<semaphore_mem>>)
        %dma_start3A_280 = arith.constant 1024 : i32
        %dma_start3A_281 = tpu.memref_slice %arg11[%dma_start3A_280] : memref<2048xi32, #tpu.memory_space<vmem>> -> memref<1024xi32, #tpu.memory_space<vmem>>
        %dma_start3A_282 = tpu.memref_slice %arg4[%multiple_of3A_273] : memref<2716384xi32, #tpu.memory_space<hbm>> -> memref<1024xi32, #tpu.memory_space<hbm>>
        %dma_start3A_283 = arith.constant 1024 : i32
        %dma_start3A_284 = tpu.memref_slice %arg11[%dma_start3A_283] : memref<2048xi32, #tpu.memory_space<vmem>> -> memref<1024xi32, #tpu.memory_space<vmem>>
        %dma_start3A_285 = tpu.memref_slice %arg4[%multiple_of3A_273] : memref<2716384xi32, #tpu.memory_space<hbm>> -> memref<1024xi32, #tpu.memory_space<hbm>>
        tpu.enqueue_dma source(%dma_start3A_285 : memref<1024xi32, #tpu.memory_space<hbm>>) target(%dma_start3A_284 : memref<1024xi32, #tpu.memory_space<vmem>>) target_semaphore(%arg19 : memref<!tpu.dma_semaphore, #tpu.memory_space<semaphore_mem>>)
        %dma_start3A_286 = tpu.memref_slice %arg5[%multiple_of3A_273] : memref<2716384xf32, #tpu.memory_space<hbm>> -> memref<1024xf32, #tpu.memory_space<hbm>>
        %dma_start3A_287 = tpu.memref_slice %arg5[%multiple_of3A_273] : memref<2716384xf32, #tpu.memory_space<hbm>> -> memref<1024xf32, #tpu.memory_space<hbm>>
        tpu.enqueue_dma source(%dma_start3A_287 : memref<1024xf32, #tpu.memory_space<hbm>>) target(%arg13 : memref<1024xf32, #tpu.memory_space<vmem>>) target_semaphore(%arg19 : memref<!tpu.dma_semaphore, #tpu.memory_space<semaphore_mem>>)
      } else {
      }
      %ge3A_221 = arith.constant 31 : i32
      %ge3A_222 = arith.cmpi sge, %add3A, %ge3A_221 : i32
      %convert_element_type3A_223 = arith.extui %ge3A_222 : i1 to i32
      %cond3A_224 = arith.constant 0 : i32
      %cond3A_225 = arith.cmpi ne, %convert_element_type3A_223, %cond3A_224 : i32
      scf.if %cond3A_225 {
        %sub3A = arith.constant 31 : i32
        %sub3A_270 = arith.subi %add3A, %sub3A : i32
        %mul3A_271 = arith.constant 84992 : i32
        %mul3A_272 = arith.muli %sub3A_270, %mul3A_271 : i32
        %mul3A_273 = arith.constant 1024 : i32
        %mul3A_274 = arith.muli %add3A_215, %mul3A_273 : i32
        %add3A_275 = arith.addi %mul3A_272, %mul3A_274 : i32
        %multiple_of3A_276 = tpu.assume_multiple %add3A_275, 8 : i32
        %dma_start3A_277 = arith.constant 0 : i32
        %dma_start3A_278 = tpu.memref_slice %arg11[%dma_start3A_277] : memref<2048xi32, #tpu.memory_space<vmem>> -> memref<1024xi32, #tpu.memory_space<vmem>>
        %dma_start3A_279 = tpu.memref_slice %arg6[%multiple_of3A_276] : memref<87040xi32, #tpu.memory_space<hbm>> -> memref<1024xi32, #tpu.memory_space<hbm>>
        %dma_start3A_280 = arith.constant 0 : i32
        %dma_start3A_281 = tpu.memref_slice %arg11[%dma_start3A_280] : memref<2048xi32, #tpu.memory_space<vmem>> -> memref<1024xi32, #tpu.memory_space<vmem>>
        %dma_start3A_282 = tpu.memref_slice %arg6[%multiple_of3A_276] : memref<87040xi32, #tpu.memory_space<hbm>> -> memref<1024xi32, #tpu.memory_space<hbm>>
        tpu.enqueue_dma source(%dma_start3A_282 : memref<1024xi32, #tpu.memory_space<hbm>>) target(%dma_start3A_281 : memref<1024xi32, #tpu.memory_space<vmem>>) target_semaphore(%arg19 : memref<!tpu.dma_semaphore, #tpu.memory_space<semaphore_mem>>)
        %dma_start3A_283 = arith.constant 1024 : i32
        %dma_start3A_284 = tpu.memref_slice %arg11[%dma_start3A_283] : memref<2048xi32, #tpu.memory_space<vmem>> -> memref<1024xi32, #tpu.memory_space<vmem>>
        %dma_start3A_285 = tpu.memref_slice %arg7[%multiple_of3A_276] : memref<87040xi32, #tpu.memory_space<hbm>> -> memref<1024xi32, #tpu.memory_space<hbm>>
        %dma_start3A_286 = arith.constant 1024 : i32
        %dma_start3A_287 = tpu.memref_slice %arg11[%dma_start3A_286] : memref<2048xi32, #tpu.memory_space<vmem>> -> memref<1024xi32, #tpu.memory_space<vmem>>
        %dma_start3A_288 = tpu.memref_slice %arg7[%multiple_of3A_276] : memref<87040xi32, #tpu.memory_space<hbm>> -> memref<1024xi32, #tpu.memory_space<hbm>>
        tpu.enqueue_dma source(%dma_start3A_288 : memref<1024xi32, #tpu.memory_space<hbm>>) target(%dma_start3A_287 : memref<1024xi32, #tpu.memory_space<vmem>>) target_semaphore(%arg19 : memref<!tpu.dma_semaphore, #tpu.memory_space<semaphore_mem>>)
        %dma_start3A_289 = tpu.memref_slice %arg8[%multiple_of3A_276] : memref<87040xf32, #tpu.memory_space<hbm>> -> memref<1024xf32, #tpu.memory_space<hbm>>
        %dma_start3A_290 = tpu.memref_slice %arg8[%multiple_of3A_276] : memref<87040xf32, #tpu.memory_space<hbm>> -> memref<1024xf32, #tpu.memory_space<hbm>>
        tpu.enqueue_dma source(%dma_start3A_290 : memref<1024xf32, #tpu.memory_space<hbm>>) target(%arg13 : memref<1024xf32, #tpu.memory_space<vmem>>) target_semaphore(%arg19 : memref<!tpu.dma_semaphore, #tpu.memory_space<semaphore_mem>>)
      } else {
      }
      %add3A_226 = arith.constant 1 : i32
      %add3A_227 = arith.addi %add3A_183, %add3A_226 : i32
      %dma_wait3A_228 = arith.constant 0 : i32
      %dma_wait3A_229 = tpu.memref_slice %arg11[%dma_wait3A_228] : memref<2048xi32, #tpu.memory_space<vmem>> -> memref<1024xi32, #tpu.memory_space<vmem>>
      %dma_wait3A_230 = arith.constant 0 : i32
      %dma_wait3A_231 = tpu.memref_slice %arg3[%dma_wait3A_230] : memref<2716384xi32, #tpu.memory_space<hbm>> -> memref<1024xi32, #tpu.memory_space<hbm>>
      %dma_wait3A_232 = arith.constant 0 : i32
      %dma_wait3A_233 = tpu.memref_slice %arg11[%dma_wait3A_232] : memref<2048xi32, #tpu.memory_space<vmem>> -> memref<1024xi32, #tpu.memory_space<vmem>>
      %dma_wait3A_234 = arith.constant 0 : i32
      %dma_wait3A_235 = tpu.memref_slice %arg3[%dma_wait3A_234] : memref<2716384xi32, #tpu.memory_space<hbm>> -> memref<1024xi32, #tpu.memory_space<hbm>>
      tpu.wait_dma2 semaphore(%arg19 : memref<!tpu.dma_semaphore, #tpu.memory_space<semaphore_mem>>) src(%dma_wait3A_235 : memref<1024xi32, #tpu.memory_space<hbm>>) dst(%dma_wait3A_233 : memref<1024xi32, #tpu.memory_space<vmem>>)
      %dma_wait3A_236 = arith.constant 1024 : i32
      %dma_wait3A_237 = tpu.memref_slice %arg11[%dma_wait3A_236] : memref<2048xi32, #tpu.memory_space<vmem>> -> memref<1024xi32, #tpu.memory_space<vmem>>
      %dma_wait3A_238 = arith.constant 0 : i32
      %dma_wait3A_239 = tpu.memref_slice %arg4[%dma_wait3A_238] : memref<2716384xi32, #tpu.memory_space<hbm>> -> memref<1024xi32, #tpu.memory_space<hbm>>
      %dma_wait3A_240 = arith.constant 1024 : i32
      %dma_wait3A_241 = tpu.memref_slice %arg11[%dma_wait3A_240] : memref<2048xi32, #tpu.memory_space<vmem>> -> memref<1024xi32, #tpu.memory_space<vmem>>
      %dma_wait3A_242 = arith.constant 0 : i32
      %dma_wait3A_243 = tpu.memref_slice %arg4[%dma_wait3A_242] : memref<2716384xi32, #tpu.memory_space<hbm>> -> memref<1024xi32, #tpu.memory_space<hbm>>
      tpu.wait_dma2 semaphore(%arg19 : memref<!tpu.dma_semaphore, #tpu.memory_space<semaphore_mem>>) src(%dma_wait3A_243 : memref<1024xi32, #tpu.memory_space<hbm>>) dst(%dma_wait3A_241 : memref<1024xi32, #tpu.memory_space<vmem>>)
      %dma_wait3A_244 = arith.constant 0 : i32
      %dma_wait3A_245 = tpu.memref_slice %arg5[%dma_wait3A_244] : memref<2716384xf32, #tpu.memory_space<hbm>> -> memref<1024xf32, #tpu.memory_space<hbm>>
      %dma_wait3A_246 = arith.constant 0 : i32
      %dma_wait3A_247 = tpu.memref_slice %arg5[%dma_wait3A_246] : memref<2716384xf32, #tpu.memory_space<hbm>> -> memref<1024xf32, #tpu.memory_space<hbm>>
      tpu.wait_dma2 semaphore(%arg19 : memref<!tpu.dma_semaphore, #tpu.memory_space<semaphore_mem>>) src(%dma_wait3A_247 : memref<1024xf32, #tpu.memory_space<hbm>>) dst(%arg13 : memref<1024xf32, #tpu.memory_space<vmem>>)
      %dma_start3A_248 = arith.constant 0 : i32
      %dma_start3A_249 = arith.constant 0 : i32
      %dma_start3A_250 = tpu.memref_slice %arg17[%dma_start3A_248, %dma_start3A_249] : memref<16384x16xf32, #tpu.memory_space<vmem_shared>> -> memref<16384x16xf32, #tpu.memory_space<vmem_shared>>
      tpu.enqueue_indirect_dma source(%dma_start3A_250 : memref<16384x16xf32, #tpu.memory_space<vmem_shared>>) target(%arg15 : memref<2048x16xf32, #tpu.memory_space<vmem>>) offsets(%arg11 : memref<2048xi32, #tpu.memory_space<vmem>>) semaphore(%arg21 : memref<!tpu.dma_semaphore, #tpu.memory_space<semaphore_mem>>)
      %dma_wait3A_251 = arith.constant 0 : i32
      %dma_wait3A_252 = arith.constant 0 : i32
      %dma_wait3A_253 = tpu.memref_slice %arg17[%dma_wait3A_251, %dma_wait3A_252] : memref<16384x16xf32, #tpu.memory_space<vmem_shared>> -> memref<16384x16xf32, #tpu.memory_space<vmem_shared>>
      tpu.wait_indirect_dma semaphore(%arg20 : memref<!tpu.dma_semaphore, #tpu.memory_space<semaphore_mem>>) src(%dma_wait3A_253 : memref<16384x16xf32, #tpu.memory_space<vmem_shared>>) dst(%arg14 : memref<2048x16xf32, #tpu.memory_space<vmem>>)
      %parallel_loop3A_254 = arith.constant 0 : i32
      %parallel_loop3A_255 = arith.constant 1024 : i32
      %parallel_loop3A_256 = arith.constant 16 : i32
      %parallel_loop3A_257:16 = scf.for %parallel_loop3A_270 = %parallel_loop3A_254 to %parallel_loop3A_255 step %parallel_loop3A_256 iter_args(%parallel_loop3A_271 = %parallel_loop3A_213#0, %parallel_loop3A_272 = %parallel_loop3A_213#1, %parallel_loop3A_273 = %parallel_loop3A_213#2, %parallel_loop3A_274 = %parallel_loop3A_213#3, %parallel_loop3A_275 = %parallel_loop3A_213#4, %parallel_loop3A_276 = %parallel_loop3A_213#5, %parallel_loop3A_277 = %parallel_loop3A_213#6, %parallel_loop3A_278 = %parallel_loop3A_213#7, %parallel_loop3A_279 = %parallel_loop3A_213#8, %parallel_loop3A_280 = %parallel_loop3A_213#9, %parallel_loop3A_281 = %parallel_loop3A_213#10, %parallel_loop3A_282 = %parallel_loop3A_213#11, %parallel_loop3A_283 = %parallel_loop3A_213#12, %parallel_loop3A_284 = %parallel_loop3A_213#13, %parallel_loop3A_285 = %parallel_loop3A_213#14, %parallel_loop3A_286 = %parallel_loop3A_213#15) -> (vector<16xf32>, vector<16xf32>, vector<16xf32>, vector<16xf32>, vector<16xf32>, vector<16xf32>, vector<16xf32>, vector<16xf32>, vector<16xf32>, vector<16xf32>, vector<16xf32>, vector<16xf32>, vector<16xf32>, vector<16xf32>, vector<16xf32>, vector<16xf32>)  : i32 {
        %parallel_loop3A_287 = arith.index_cast %parallel_loop3A_270 : i32 to index
        %parallel_loop3A_288 = tpu.vector_load %arg12[%parallel_loop3A_287] {strides = array<i32>} : memref<1024xf32, #tpu.memory_space<vmem>>, vector<16xf32>,
        %parallel_loop3A_289 = vector.shape_cast %parallel_loop3A_288 : vector<16xf32> to vector<16xf32>
        %parallel_loop3A_290 = arith.constant 0 : i32
        %parallel_loop3A_291 = arith.addi %parallel_loop3A_270, %parallel_loop3A_290 : i32
        %parallel_loop3A_292 = arith.index_cast %parallel_loop3A_291 : i32 to index
        %parallel_loop3A_293 = arith.constant 0 : index
        %parallel_loop3A_294 = tpu.vector_load %arg14[%parallel_loop3A_292, %parallel_loop3A_293] {strides = array<i32>} : memref<2048x16xf32, #tpu.memory_space<vmem>>, vector<1x16xf32>,
        %parallel_loop3A_295 = vector.shape_cast %parallel_loop3A_294 : vector<1x16xf32> to vector<16xf32>
        %parallel_loop3A_296 = arith.constant 1024 : i32
        %parallel_loop3A_297 = arith.addi %parallel_loop3A_296, %parallel_loop3A_270 : i32
        %parallel_loop3A_298 = arith.constant 0 : i32
        %parallel_loop3A_299 = arith.addi %parallel_loop3A_297, %parallel_loop3A_298 : i32
        %parallel_loop3A_300 = arith.index_cast %parallel_loop3A_299 : i32 to index
        %parallel_loop3A_301 = arith.constant 0 : index
        %parallel_loop3A_302 = tpu.vector_load %arg14[%parallel_loop3A_300, %parallel_loop3A_301] {strides = array<i32>} : memref<2048x16xf32, #tpu.memory_space<vmem>>, vector<1x16xf32>,
        %parallel_loop3A_303 = vector.shape_cast %parallel_loop3A_302 : vector<1x16xf32> to vector<16xf32>
        %parallel_loop3A_304 = arith.mulf %parallel_loop3A_295, %parallel_loop3A_303 : vector<16xf32>
        %parallel_loop3A_305 = vector.extract_strided_slice %parallel_loop3A_289 {offsets = [0], sizes = [1], strides = [1]} : vector<16xf32> to vector<1xf32>
        %parallel_loop3A_306 = vector.extract %parallel_loop3A_305[0] : f32 from vector<1xf32>
        %parallel_loop3A_307 = vector.broadcast %parallel_loop3A_306 : f32 to vector<16xf32>
        %parallel_loop3A_308 = arith.mulf %parallel_loop3A_307, %parallel_loop3A_304 : vector<16xf32>
        %parallel_loop3A_309 = arith.addf %parallel_loop3A_271, %parallel_loop3A_308 : vector<16xf32>
        %parallel_loop3A_310 = arith.constant 1 : i32
        %parallel_loop3A_311 = arith.addi %parallel_loop3A_270, %parallel_loop3A_310 : i32
        %parallel_loop3A_312 = arith.index_cast %parallel_loop3A_311 : i32 to index
        %parallel_loop3A_313 = arith.constant 0 : index
        %parallel_loop3A_314 = tpu.vector_load %arg14[%parallel_loop3A_312, %parallel_loop3A_313] {strides = array<i32>} : memref<2048x16xf32, #tpu.memory_space<vmem>>, vector<1x16xf32>,
        %parallel_loop3A_315 = vector.shape_cast %parallel_loop3A_314 : vector<1x16xf32> to vector<16xf32>
        %parallel_loop3A_316 = arith.constant 1024 : i32
        %parallel_loop3A_317 = arith.addi %parallel_loop3A_316, %parallel_loop3A_270 : i32
        %parallel_loop3A_318 = arith.constant 1 : i32
        %parallel_loop3A_319 = arith.addi %parallel_loop3A_317, %parallel_loop3A_318 : i32
        %parallel_loop3A_320 = arith.index_cast %parallel_loop3A_319 : i32 to index
        %parallel_loop3A_321 = arith.constant 0 : index
        %parallel_loop3A_322 = tpu.vector_load %arg14[%parallel_loop3A_320, %parallel_loop3A_321] {strides = array<i32>} : memref<2048x16xf32, #tpu.memory_space<vmem>>, vector<1x16xf32>,
        %parallel_loop3A_323 = vector.shape_cast %parallel_loop3A_322 : vector<1x16xf32> to vector<16xf32>
        %parallel_loop3A_324 = arith.mulf %parallel_loop3A_315, %parallel_loop3A_323 : vector<16xf32>
        %parallel_loop3A_325 = vector.extract_strided_slice %parallel_loop3A_289 {offsets = [1], sizes = [1], strides = [1]} : vector<16xf32> to vector<1xf32>
        %parallel_loop3A_326 = vector.extract %parallel_loop3A_325[0] : f32 from vector<1xf32>
        %parallel_loop3A_327 = vector.broadcast %parallel_loop3A_326 : f32 to vector<16xf32>
        %parallel_loop3A_328 = arith.mulf %parallel_loop3A_327, %parallel_loop3A_324 : vector<16xf32>
        %parallel_loop3A_329 = arith.addf %parallel_loop3A_272, %parallel_loop3A_328 : vector<16xf32>
        %parallel_loop3A_330 = arith.constant 2 : i32
        %parallel_loop3A_331 = arith.addi %parallel_loop3A_270, %parallel_loop3A_330 : i32
        %parallel_loop3A_332 = arith.index_cast %parallel_loop3A_331 : i32 to index
        %parallel_loop3A_333 = arith.constant 0 : index
        %parallel_loop3A_334 = tpu.vector_load %arg14[%parallel_loop3A_332, %parallel_loop3A_333] {strides = array<i32>} : memref<2048x16xf32, #tpu.memory_space<vmem>>, vector<1x16xf32>,
        %parallel_loop3A_335 = vector.shape_cast %parallel_loop3A_334 : vector<1x16xf32> to vector<16xf32>
        %parallel_loop3A_336 = arith.constant 1024 : i32
        %parallel_loop3A_337 = arith.addi %parallel_loop3A_336, %parallel_loop3A_270 : i32
        %parallel_loop3A_338 = arith.constant 2 : i32
        %parallel_loop3A_339 = arith.addi %parallel_loop3A_337, %parallel_loop3A_338 : i32
        %parallel_loop3A_340 = arith.index_cast %parallel_loop3A_339 : i32 to index
        %parallel_loop3A_341 = arith.constant 0 : index
        %parallel_loop3A_342 = tpu.vector_load %arg14[%parallel_loop3A_340, %parallel_loop3A_341] {strides = array<i32>} : memref<2048x16xf32, #tpu.memory_space<vmem>>, vector<1x16xf32>,
        %parallel_loop3A_343 = vector.shape_cast %parallel_loop3A_342 : vector<1x16xf32> to vector<16xf32>
        %parallel_loop3A_344 = arith.mulf %parallel_loop3A_335, %parallel_loop3A_343 : vector<16xf32>
        %parallel_loop3A_345 = vector.extract_strided_slice %parallel_loop3A_289 {offsets = [2], sizes = [1], strides = [1]} : vector<16xf32> to vector<1xf32>
        %parallel_loop3A_346 = vector.extract %parallel_loop3A_345[0] : f32 from vector<1xf32>
        %parallel_loop3A_347 = vector.broadcast %parallel_loop3A_346 : f32 to vector<16xf32>
        %parallel_loop3A_348 = arith.mulf %parallel_loop3A_347, %parallel_loop3A_344 : vector<16xf32>
        %parallel_loop3A_349 = arith.addf %parallel_loop3A_273, %parallel_loop3A_348 : vector<16xf32>
        %parallel_loop3A_350 = arith.constant 3 : i32
        %parallel_loop3A_351 = arith.addi %parallel_loop3A_270, %parallel_loop3A_350 : i32
        %parallel_loop3A_352 = arith.index_cast %parallel_loop3A_351 : i32 to index
        %parallel_loop3A_353 = arith.constant 0 : index
        %parallel_loop3A_354 = tpu.vector_load %arg14[%parallel_loop3A_352, %parallel_loop3A_353] {strides = array<i32>} : memref<2048x16xf32, #tpu.memory_space<vmem>>, vector<1x16xf32>,
        %parallel_loop3A_355 = vector.shape_cast %parallel_loop3A_354 : vector<1x16xf32> to vector<16xf32>
        %parallel_loop3A_356 = arith.constant 1024 : i32
        %parallel_loop3A_357 = arith.addi %parallel_loop3A_356, %parallel_loop3A_270 : i32
        %parallel_loop3A_358 = arith.constant 3 : i32
        %parallel_loop3A_359 = arith.addi %parallel_loop3A_357, %parallel_loop3A_358 : i32
        %parallel_loop3A_360 = arith.index_cast %parallel_loop3A_359 : i32 to index
        %parallel_loop3A_361 = arith.constant 0 : index
        %parallel_loop3A_362 = tpu.vector_load %arg14[%parallel_loop3A_360, %parallel_loop3A_361] {strides = array<i32>} : memref<2048x16xf32, #tpu.memory_space<vmem>>, vector<1x16xf32>,
        %parallel_loop3A_363 = vector.shape_cast %parallel_loop3A_362 : vector<1x16xf32> to vector<16xf32>
        %parallel_loop3A_364 = arith.mulf %parallel_loop3A_355, %parallel_loop3A_363 : vector<16xf32>
        %parallel_loop3A_365 = vector.extract_strided_slice %parallel_loop3A_289 {offsets = [3], sizes = [1], strides = [1]} : vector<16xf32> to vector<1xf32>
        %parallel_loop3A_366 = vector.extract %parallel_loop3A_365[0] : f32 from vector<1xf32>
        %parallel_loop3A_367 = vector.broadcast %parallel_loop3A_366 : f32 to vector<16xf32>
        %parallel_loop3A_368 = arith.mulf %parallel_loop3A_367, %parallel_loop3A_364 : vector<16xf32>
        %parallel_loop3A_369 = arith.addf %parallel_loop3A_274, %parallel_loop3A_368 : vector<16xf32>
        %parallel_loop3A_370 = arith.constant 4 : i32
        %parallel_loop3A_371 = arith.addi %parallel_loop3A_270, %parallel_loop3A_370 : i32
        %parallel_loop3A_372 = arith.index_cast %parallel_loop3A_371 : i32 to index
        %parallel_loop3A_373 = arith.constant 0 : index
        %parallel_loop3A_374 = tpu.vector_load %arg14[%parallel_loop3A_372, %parallel_loop3A_373] {strides = array<i32>} : memref<2048x16xf32, #tpu.memory_space<vmem>>, vector<1x16xf32>,
        %parallel_loop3A_375 = vector.shape_cast %parallel_loop3A_374 : vector<1x16xf32> to vector<16xf32>
        %parallel_loop3A_376 = arith.constant 1024 : i32
        %parallel_loop3A_377 = arith.addi %parallel_loop3A_376, %parallel_loop3A_270 : i32
        %parallel_loop3A_378 = arith.constant 4 : i32
        %parallel_loop3A_379 = arith.addi %parallel_loop3A_377, %parallel_loop3A_378 : i32
        %parallel_loop3A_380 = arith.index_cast %parallel_loop3A_379 : i32 to index
        %parallel_loop3A_381 = arith.constant 0 : index
        %parallel_loop3A_382 = tpu.vector_load %arg14[%parallel_loop3A_380, %parallel_loop3A_381] {strides = array<i32>} : memref<2048x16xf32, #tpu.memory_space<vmem>>, vector<1x16xf32>,
        %parallel_loop3A_383 = vector.shape_cast %parallel_loop3A_382 : vector<1x16xf32> to vector<16xf32>
        %parallel_loop3A_384 = arith.mulf %parallel_loop3A_375, %parallel_loop3A_383 : vector<16xf32>
        %parallel_loop3A_385 = vector.extract_strided_slice %parallel_loop3A_289 {offsets = [4], sizes = [1], strides = [1]} : vector<16xf32> to vector<1xf32>
        %parallel_loop3A_386 = vector.extract %parallel_loop3A_385[0] : f32 from vector<1xf32>
        %parallel_loop3A_387 = vector.broadcast %parallel_loop3A_386 : f32 to vector<16xf32>
        %parallel_loop3A_388 = arith.mulf %parallel_loop3A_387, %parallel_loop3A_384 : vector<16xf32>
        %parallel_loop3A_389 = arith.addf %parallel_loop3A_275, %parallel_loop3A_388 : vector<16xf32>
        %parallel_loop3A_390 = arith.constant 5 : i32
        %parallel_loop3A_391 = arith.addi %parallel_loop3A_270, %parallel_loop3A_390 : i32
        %parallel_loop3A_392 = arith.index_cast %parallel_loop3A_391 : i32 to index
        %parallel_loop3A_393 = arith.constant 0 : index
        %parallel_loop3A_394 = tpu.vector_load %arg14[%parallel_loop3A_392, %parallel_loop3A_393] {strides = array<i32>} : memref<2048x16xf32, #tpu.memory_space<vmem>>, vector<1x16xf32>,
        %parallel_loop3A_395 = vector.shape_cast %parallel_loop3A_394 : vector<1x16xf32> to vector<16xf32>
        %parallel_loop3A_396 = arith.constant 1024 : i32
        %parallel_loop3A_397 = arith.addi %parallel_loop3A_396, %parallel_loop3A_270 : i32
        %parallel_loop3A_398 = arith.constant 5 : i32
        %parallel_loop3A_399 = arith.addi %parallel_loop3A_397, %parallel_loop3A_398 : i32
        %parallel_loop3A_400 = arith.index_cast %parallel_loop3A_399 : i32 to index
        %parallel_loop3A_401 = arith.constant 0 : index
        %parallel_loop3A_402 = tpu.vector_load %arg14[%parallel_loop3A_400, %parallel_loop3A_401] {strides = array<i32>} : memref<2048x16xf32, #tpu.memory_space<vmem>>, vector<1x16xf32>,
        %parallel_loop3A_403 = vector.shape_cast %parallel_loop3A_402 : vector<1x16xf32> to vector<16xf32>
        %parallel_loop3A_404 = arith.mulf %parallel_loop3A_395, %parallel_loop3A_403 : vector<16xf32>
        %parallel_loop3A_405 = vector.extract_strided_slice %parallel_loop3A_289 {offsets = [5], sizes = [1], strides = [1]} : vector<16xf32> to vector<1xf32>
        %parallel_loop3A_406 = vector.extract %parallel_loop3A_405[0] : f32 from vector<1xf32>
        %parallel_loop3A_407 = vector.broadcast %parallel_loop3A_406 : f32 to vector<16xf32>
        %parallel_loop3A_408 = arith.mulf %parallel_loop3A_407, %parallel_loop3A_404 : vector<16xf32>
        %parallel_loop3A_409 = arith.addf %parallel_loop3A_276, %parallel_loop3A_408 : vector<16xf32>
        %parallel_loop3A_410 = arith.constant 6 : i32
        %parallel_loop3A_411 = arith.addi %parallel_loop3A_270, %parallel_loop3A_410 : i32
        %parallel_loop3A_412 = arith.index_cast %parallel_loop3A_411 : i32 to index
        %parallel_loop3A_413 = arith.constant 0 : index
        %parallel_loop3A_414 = tpu.vector_load %arg14[%parallel_loop3A_412, %parallel_loop3A_413] {strides = array<i32>} : memref<2048x16xf32, #tpu.memory_space<vmem>>, vector<1x16xf32>,
        %parallel_loop3A_415 = vector.shape_cast %parallel_loop3A_414 : vector<1x16xf32> to vector<16xf32>
        %parallel_loop3A_416 = arith.constant 1024 : i32
        %parallel_loop3A_417 = arith.addi %parallel_loop3A_416, %parallel_loop3A_270 : i32
        %parallel_loop3A_418 = arith.constant 6 : i32
        %parallel_loop3A_419 = arith.addi %parallel_loop3A_417, %parallel_loop3A_418 : i32
        %parallel_loop3A_420 = arith.index_cast %parallel_loop3A_419 : i32 to index
        %parallel_loop3A_421 = arith.constant 0 : index
        %parallel_loop3A_422 = tpu.vector_load %arg14[%parallel_loop3A_420, %parallel_loop3A_421] {strides = array<i32>} : memref<2048x16xf32, #tpu.memory_space<vmem>>, vector<1x16xf32>,
        %parallel_loop3A_423 = vector.shape_cast %parallel_loop3A_422 : vector<1x16xf32> to vector<16xf32>
        %parallel_loop3A_424 = arith.mulf %parallel_loop3A_415, %parallel_loop3A_423 : vector<16xf32>
        %parallel_loop3A_425 = vector.extract_strided_slice %parallel_loop3A_289 {offsets = [6], sizes = [1], strides = [1]} : vector<16xf32> to vector<1xf32>
        %parallel_loop3A_426 = vector.extract %parallel_loop3A_425[0] : f32 from vector<1xf32>
        %parallel_loop3A_427 = vector.broadcast %parallel_loop3A_426 : f32 to vector<16xf32>
        %parallel_loop3A_428 = arith.mulf %parallel_loop3A_427, %parallel_loop3A_424 : vector<16xf32>
        %parallel_loop3A_429 = arith.addf %parallel_loop3A_277, %parallel_loop3A_428 : vector<16xf32>
        %parallel_loop3A_430 = arith.constant 7 : i32
        %parallel_loop3A_431 = arith.addi %parallel_loop3A_270, %parallel_loop3A_430 : i32
        %parallel_loop3A_432 = arith.index_cast %parallel_loop3A_431 : i32 to index
        %parallel_loop3A_433 = arith.constant 0 : index
        %parallel_loop3A_434 = tpu.vector_load %arg14[%parallel_loop3A_432, %parallel_loop3A_433] {strides = array<i32>} : memref<2048x16xf32, #tpu.memory_space<vmem>>, vector<1x16xf32>,
        %parallel_loop3A_435 = vector.shape_cast %parallel_loop3A_434 : vector<1x16xf32> to vector<16xf32>
        %parallel_loop3A_436 = arith.constant 1024 : i32
        %parallel_loop3A_437 = arith.addi %parallel_loop3A_436, %parallel_loop3A_270 : i32
        %parallel_loop3A_438 = arith.constant 7 : i32
        %parallel_loop3A_439 = arith.addi %parallel_loop3A_437, %parallel_loop3A_438 : i32
        %parallel_loop3A_440 = arith.index_cast %parallel_loop3A_439 : i32 to index
        %parallel_loop3A_441 = arith.constant 0 : index
        %parallel_loop3A_442 = tpu.vector_load %arg14[%parallel_loop3A_440, %parallel_loop3A_441] {strides = array<i32>} : memref<2048x16xf32, #tpu.memory_space<vmem>>, vector<1x16xf32>,
        %parallel_loop3A_443 = vector.shape_cast %parallel_loop3A_442 : vector<1x16xf32> to vector<16xf32>
        %parallel_loop3A_444 = arith.mulf %parallel_loop3A_435, %parallel_loop3A_443 : vector<16xf32>
        %parallel_loop3A_445 = vector.extract_strided_slice %parallel_loop3A_289 {offsets = [7], sizes = [1], strides = [1]} : vector<16xf32> to vector<1xf32>
        %parallel_loop3A_446 = vector.extract %parallel_loop3A_445[0] : f32 from vector<1xf32>
        %parallel_loop3A_447 = vector.broadcast %parallel_loop3A_446 : f32 to vector<16xf32>
        %parallel_loop3A_448 = arith.mulf %parallel_loop3A_447, %parallel_loop3A_444 : vector<16xf32>
        %parallel_loop3A_449 = arith.addf %parallel_loop3A_278, %parallel_loop3A_448 : vector<16xf32>
        %parallel_loop3A_450 = arith.constant 8 : i32
        %parallel_loop3A_451 = arith.addi %parallel_loop3A_270, %parallel_loop3A_450 : i32
        %parallel_loop3A_452 = arith.index_cast %parallel_loop3A_451 : i32 to index
        %parallel_loop3A_453 = arith.constant 0 : index
        %parallel_loop3A_454 = tpu.vector_load %arg14[%parallel_loop3A_452, %parallel_loop3A_453] {strides = array<i32>} : memref<2048x16xf32, #tpu.memory_space<vmem>>, vector<1x16xf32>,
        %parallel_loop3A_455 = vector.shape_cast %parallel_loop3A_454 : vector<1x16xf32> to vector<16xf32>
        %parallel_loop3A_456 = arith.constant 1024 : i32
        %parallel_loop3A_457 = arith.addi %parallel_loop3A_456, %parallel_loop3A_270 : i32
        %parallel_loop3A_458 = arith.constant 8 : i32
        %parallel_loop3A_459 = arith.addi %parallel_loop3A_457, %parallel_loop3A_458 : i32
        %parallel_loop3A_460 = arith.index_cast %parallel_loop3A_459 : i32 to index
        %parallel_loop3A_461 = arith.constant 0 : index
        %parallel_loop3A_462 = tpu.vector_load %arg14[%parallel_loop3A_460, %parallel_loop3A_461] {strides = array<i32>} : memref<2048x16xf32, #tpu.memory_space<vmem>>, vector<1x16xf32>,
        %parallel_loop3A_463 = vector.shape_cast %parallel_loop3A_462 : vector<1x16xf32> to vector<16xf32>
        %parallel_loop3A_464 = arith.mulf %parallel_loop3A_455, %parallel_loop3A_463 : vector<16xf32>
        %parallel_loop3A_465 = vector.extract_strided_slice %parallel_loop3A_289 {offsets = [8], sizes = [1], strides = [1]} : vector<16xf32> to vector<1xf32>
        %parallel_loop3A_466 = vector.extract %parallel_loop3A_465[0] : f32 from vector<1xf32>
        %parallel_loop3A_467 = vector.broadcast %parallel_loop3A_466 : f32 to vector<16xf32>
        %parallel_loop3A_468 = arith.mulf %parallel_loop3A_467, %parallel_loop3A_464 : vector<16xf32>
        %parallel_loop3A_469 = arith.addf %parallel_loop3A_279, %parallel_loop3A_468 : vector<16xf32>
        %parallel_loop3A_470 = arith.constant 9 : i32
        %parallel_loop3A_471 = arith.addi %parallel_loop3A_270, %parallel_loop3A_470 : i32
        %parallel_loop3A_472 = arith.index_cast %parallel_loop3A_471 : i32 to index
        %parallel_loop3A_473 = arith.constant 0 : index
        %parallel_loop3A_474 = tpu.vector_load %arg14[%parallel_loop3A_472, %parallel_loop3A_473] {strides = array<i32>} : memref<2048x16xf32, #tpu.memory_space<vmem>>, vector<1x16xf32>,
        %parallel_loop3A_475 = vector.shape_cast %parallel_loop3A_474 : vector<1x16xf32> to vector<16xf32>
        %parallel_loop3A_476 = arith.constant 1024 : i32
        %parallel_loop3A_477 = arith.addi %parallel_loop3A_476, %parallel_loop3A_270 : i32
        %parallel_loop3A_478 = arith.constant 9 : i32
        %parallel_loop3A_479 = arith.addi %parallel_loop3A_477, %parallel_loop3A_478 : i32
        %parallel_loop3A_480 = arith.index_cast %parallel_loop3A_479 : i32 to index
        %parallel_loop3A_481 = arith.constant 0 : index
        %parallel_loop3A_482 = tpu.vector_load %arg14[%parallel_loop3A_480, %parallel_loop3A_481] {strides = array<i32>} : memref<2048x16xf32, #tpu.memory_space<vmem>>, vector<1x16xf32>,
        %parallel_loop3A_483 = vector.shape_cast %parallel_loop3A_482 : vector<1x16xf32> to vector<16xf32>
        %parallel_loop3A_484 = arith.mulf %parallel_loop3A_475, %parallel_loop3A_483 : vector<16xf32>
        %parallel_loop3A_485 = vector.extract_strided_slice %parallel_loop3A_289 {offsets = [9], sizes = [1], strides = [1]} : vector<16xf32> to vector<1xf32>
        %parallel_loop3A_486 = vector.extract %parallel_loop3A_485[0] : f32 from vector<1xf32>
        %parallel_loop3A_487 = vector.broadcast %parallel_loop3A_486 : f32 to vector<16xf32>
        %parallel_loop3A_488 = arith.mulf %parallel_loop3A_487, %parallel_loop3A_484 : vector<16xf32>
        %parallel_loop3A_489 = arith.addf %parallel_loop3A_280, %parallel_loop3A_488 : vector<16xf32>
        %parallel_loop3A_490 = arith.constant 10 : i32
        %parallel_loop3A_491 = arith.addi %parallel_loop3A_270, %parallel_loop3A_490 : i32
        %parallel_loop3A_492 = arith.index_cast %parallel_loop3A_491 : i32 to index
        %parallel_loop3A_493 = arith.constant 0 : index
        %parallel_loop3A_494 = tpu.vector_load %arg14[%parallel_loop3A_492, %parallel_loop3A_493] {strides = array<i32>} : memref<2048x16xf32, #tpu.memory_space<vmem>>, vector<1x16xf32>,
        %parallel_loop3A_495 = vector.shape_cast %parallel_loop3A_494 : vector<1x16xf32> to vector<16xf32>
        %parallel_loop3A_496 = arith.constant 1024 : i32
        %parallel_loop3A_497 = arith.addi %parallel_loop3A_496, %parallel_loop3A_270 : i32
        %parallel_loop3A_498 = arith.constant 10 : i32
        %parallel_loop3A_499 = arith.addi %parallel_loop3A_497, %parallel_loop3A_498 : i32
        %parallel_loop3A_500 = arith.index_cast %parallel_loop3A_499 : i32 to index
        %parallel_loop3A_501 = arith.constant 0 : index
        %parallel_loop3A_502 = tpu.vector_load %arg14[%parallel_loop3A_500, %parallel_loop3A_501] {strides = array<i32>} : memref<2048x16xf32, #tpu.memory_space<vmem>>, vector<1x16xf32>,
        %parallel_loop3A_503 = vector.shape_cast %parallel_loop3A_502 : vector<1x16xf32> to vector<16xf32>
        %parallel_loop3A_504 = arith.mulf %parallel_loop3A_495, %parallel_loop3A_503 : vector<16xf32>
        %parallel_loop3A_505 = vector.extract_strided_slice %parallel_loop3A_289 {offsets = [10], sizes = [1], strides = [1]} : vector<16xf32> to vector<1xf32>
        %parallel_loop3A_506 = vector.extract %parallel_loop3A_505[0] : f32 from vector<1xf32>
        %parallel_loop3A_507 = vector.broadcast %parallel_loop3A_506 : f32 to vector<16xf32>
        %parallel_loop3A_508 = arith.mulf %parallel_loop3A_507, %parallel_loop3A_504 : vector<16xf32>
        %parallel_loop3A_509 = arith.addf %parallel_loop3A_281, %parallel_loop3A_508 : vector<16xf32>
        %parallel_loop3A_510 = arith.constant 11 : i32
        %parallel_loop3A_511 = arith.addi %parallel_loop3A_270, %parallel_loop3A_510 : i32
        %parallel_loop3A_512 = arith.index_cast %parallel_loop3A_511 : i32 to index
        %parallel_loop3A_513 = arith.constant 0 : index
        %parallel_loop3A_514 = tpu.vector_load %arg14[%parallel_loop3A_512, %parallel_loop3A_513] {strides = array<i32>} : memref<2048x16xf32, #tpu.memory_space<vmem>>, vector<1x16xf32>,
        %parallel_loop3A_515 = vector.shape_cast %parallel_loop3A_514 : vector<1x16xf32> to vector<16xf32>
        %parallel_loop3A_516 = arith.constant 1024 : i32
        %parallel_loop3A_517 = arith.addi %parallel_loop3A_516, %parallel_loop3A_270 : i32
        %parallel_loop3A_518 = arith.constant 11 : i32
        %parallel_loop3A_519 = arith.addi %parallel_loop3A_517, %parallel_loop3A_518 : i32
        %parallel_loop3A_520 = arith.index_cast %parallel_loop3A_519 : i32 to index
        %parallel_loop3A_521 = arith.constant 0 : index
        %parallel_loop3A_522 = tpu.vector_load %arg14[%parallel_loop3A_520, %parallel_loop3A_521] {strides = array<i32>} : memref<2048x16xf32, #tpu.memory_space<vmem>>, vector<1x16xf32>,
        %parallel_loop3A_523 = vector.shape_cast %parallel_loop3A_522 : vector<1x16xf32> to vector<16xf32>
        %parallel_loop3A_524 = arith.mulf %parallel_loop3A_515, %parallel_loop3A_523 : vector<16xf32>
        %parallel_loop3A_525 = vector.extract_strided_slice %parallel_loop3A_289 {offsets = [11], sizes = [1], strides = [1]} : vector<16xf32> to vector<1xf32>
        %parallel_loop3A_526 = vector.extract %parallel_loop3A_525[0] : f32 from vector<1xf32>
        %parallel_loop3A_527 = vector.broadcast %parallel_loop3A_526 : f32 to vector<16xf32>
        %parallel_loop3A_528 = arith.mulf %parallel_loop3A_527, %parallel_loop3A_524 : vector<16xf32>
        %parallel_loop3A_529 = arith.addf %parallel_loop3A_282, %parallel_loop3A_528 : vector<16xf32>
        %parallel_loop3A_530 = arith.constant 12 : i32
        %parallel_loop3A_531 = arith.addi %parallel_loop3A_270, %parallel_loop3A_530 : i32
        %parallel_loop3A_532 = arith.index_cast %parallel_loop3A_531 : i32 to index
        %parallel_loop3A_533 = arith.constant 0 : index
        %parallel_loop3A_534 = tpu.vector_load %arg14[%parallel_loop3A_532, %parallel_loop3A_533] {strides = array<i32>} : memref<2048x16xf32, #tpu.memory_space<vmem>>, vector<1x16xf32>,
        %parallel_loop3A_535 = vector.shape_cast %parallel_loop3A_534 : vector<1x16xf32> to vector<16xf32>
        %parallel_loop3A_536 = arith.constant 1024 : i32
        %parallel_loop3A_537 = arith.addi %parallel_loop3A_536, %parallel_loop3A_270 : i32
        %parallel_loop3A_538 = arith.constant 12 : i32
        %parallel_loop3A_539 = arith.addi %parallel_loop3A_537, %parallel_loop3A_538 : i32
        %parallel_loop3A_540 = arith.index_cast %parallel_loop3A_539 : i32 to index
        %parallel_loop3A_541 = arith.constant 0 : index
        %parallel_loop3A_542 = tpu.vector_load %arg14[%parallel_loop3A_540, %parallel_loop3A_541] {strides = array<i32>} : memref<2048x16xf32, #tpu.memory_space<vmem>>, vector<1x16xf32>,
        %parallel_loop3A_543 = vector.shape_cast %parallel_loop3A_542 : vector<1x16xf32> to vector<16xf32>
        %parallel_loop3A_544 = arith.mulf %parallel_loop3A_535, %parallel_loop3A_543 : vector<16xf32>
        %parallel_loop3A_545 = vector.extract_strided_slice %parallel_loop3A_289 {offsets = [12], sizes = [1], strides = [1]} : vector<16xf32> to vector<1xf32>
        %parallel_loop3A_546 = vector.extract %parallel_loop3A_545[0] : f32 from vector<1xf32>
        %parallel_loop3A_547 = vector.broadcast %parallel_loop3A_546 : f32 to vector<16xf32>
        %parallel_loop3A_548 = arith.mulf %parallel_loop3A_547, %parallel_loop3A_544 : vector<16xf32>
        %parallel_loop3A_549 = arith.addf %parallel_loop3A_283, %parallel_loop3A_548 : vector<16xf32>
        %parallel_loop3A_550 = arith.constant 13 : i32
        %parallel_loop3A_551 = arith.addi %parallel_loop3A_270, %parallel_loop3A_550 : i32
        %parallel_loop3A_552 = arith.index_cast %parallel_loop3A_551 : i32 to index
        %parallel_loop3A_553 = arith.constant 0 : index
        %parallel_loop3A_554 = tpu.vector_load %arg14[%parallel_loop3A_552, %parallel_loop3A_553] {strides = array<i32>} : memref<2048x16xf32, #tpu.memory_space<vmem>>, vector<1x16xf32>,
        %parallel_loop3A_555 = vector.shape_cast %parallel_loop3A_554 : vector<1x16xf32> to vector<16xf32>
        %parallel_loop3A_556 = arith.constant 1024 : i32
        %parallel_loop3A_557 = arith.addi %parallel_loop3A_556, %parallel_loop3A_270 : i32
        %parallel_loop3A_558 = arith.constant 13 : i32
        %parallel_loop3A_559 = arith.addi %parallel_loop3A_557, %parallel_loop3A_558 : i32
        %parallel_loop3A_560 = arith.index_cast %parallel_loop3A_559 : i32 to index
        %parallel_loop3A_561 = arith.constant 0 : index
        %parallel_loop3A_562 = tpu.vector_load %arg14[%parallel_loop3A_560, %parallel_loop3A_561] {strides = array<i32>} : memref<2048x16xf32, #tpu.memory_space<vmem>>, vector<1x16xf32>,
        %parallel_loop3A_563 = vector.shape_cast %parallel_loop3A_562 : vector<1x16xf32> to vector<16xf32>
        %parallel_loop3A_564 = arith.mulf %parallel_loop3A_555, %parallel_loop3A_563 : vector<16xf32>
        %parallel_loop3A_565 = vector.extract_strided_slice %parallel_loop3A_289 {offsets = [13], sizes = [1], strides = [1]} : vector<16xf32> to vector<1xf32>
        %parallel_loop3A_566 = vector.extract %parallel_loop3A_565[0] : f32 from vector<1xf32>
        %parallel_loop3A_567 = vector.broadcast %parallel_loop3A_566 : f32 to vector<16xf32>
        %parallel_loop3A_568 = arith.mulf %parallel_loop3A_567, %parallel_loop3A_564 : vector<16xf32>
        %parallel_loop3A_569 = arith.addf %parallel_loop3A_284, %parallel_loop3A_568 : vector<16xf32>
        %parallel_loop3A_570 = arith.constant 14 : i32
        %parallel_loop3A_571 = arith.addi %parallel_loop3A_270, %parallel_loop3A_570 : i32
        %parallel_loop3A_572 = arith.index_cast %parallel_loop3A_571 : i32 to index
        %parallel_loop3A_573 = arith.constant 0 : index
        %parallel_loop3A_574 = tpu.vector_load %arg14[%parallel_loop3A_572, %parallel_loop3A_573] {strides = array<i32>} : memref<2048x16xf32, #tpu.memory_space<vmem>>, vector<1x16xf32>,
        %parallel_loop3A_575 = vector.shape_cast %parallel_loop3A_574 : vector<1x16xf32> to vector<16xf32>
        %parallel_loop3A_576 = arith.constant 1024 : i32
        %parallel_loop3A_577 = arith.addi %parallel_loop3A_576, %parallel_loop3A_270 : i32
        %parallel_loop3A_578 = arith.constant 14 : i32
        %parallel_loop3A_579 = arith.addi %parallel_loop3A_577, %parallel_loop3A_578 : i32
        %parallel_loop3A_580 = arith.index_cast %parallel_loop3A_579 : i32 to index
        %parallel_loop3A_581 = arith.constant 0 : index
        %parallel_loop3A_582 = tpu.vector_load %arg14[%parallel_loop3A_580, %parallel_loop3A_581] {strides = array<i32>} : memref<2048x16xf32, #tpu.memory_space<vmem>>, vector<1x16xf32>,
        %parallel_loop3A_583 = vector.shape_cast %parallel_loop3A_582 : vector<1x16xf32> to vector<16xf32>
        %parallel_loop3A_584 = arith.mulf %parallel_loop3A_575, %parallel_loop3A_583 : vector<16xf32>
        %parallel_loop3A_585 = vector.extract_strided_slice %parallel_loop3A_289 {offsets = [14], sizes = [1], strides = [1]} : vector<16xf32> to vector<1xf32>
        %parallel_loop3A_586 = vector.extract %parallel_loop3A_585[0] : f32 from vector<1xf32>
        %parallel_loop3A_587 = vector.broadcast %parallel_loop3A_586 : f32 to vector<16xf32>
        %parallel_loop3A_588 = arith.mulf %parallel_loop3A_587, %parallel_loop3A_584 : vector<16xf32>
        %parallel_loop3A_589 = arith.addf %parallel_loop3A_285, %parallel_loop3A_588 : vector<16xf32>
        %parallel_loop3A_590 = arith.constant 15 : i32
        %parallel_loop3A_591 = arith.addi %parallel_loop3A_270, %parallel_loop3A_590 : i32
        %parallel_loop3A_592 = arith.index_cast %parallel_loop3A_591 : i32 to index
        %parallel_loop3A_593 = arith.constant 0 : index
        %parallel_loop3A_594 = tpu.vector_load %arg14[%parallel_loop3A_592, %parallel_loop3A_593] {strides = array<i32>} : memref<2048x16xf32, #tpu.memory_space<vmem>>, vector<1x16xf32>,
        %parallel_loop3A_595 = vector.shape_cast %parallel_loop3A_594 : vector<1x16xf32> to vector<16xf32>
        %parallel_loop3A_596 = arith.constant 1024 : i32
        %parallel_loop3A_597 = arith.addi %parallel_loop3A_596, %parallel_loop3A_270 : i32
        %parallel_loop3A_598 = arith.constant 15 : i32
        %parallel_loop3A_599 = arith.addi %parallel_loop3A_597, %parallel_loop3A_598 : i32
        %parallel_loop3A_600 = arith.index_cast %parallel_loop3A_599 : i32 to index
        %parallel_loop3A_601 = arith.constant 0 : index
        %parallel_loop3A_602 = tpu.vector_load %arg14[%parallel_loop3A_600, %parallel_loop3A_601] {strides = array<i32>} : memref<2048x16xf32, #tpu.memory_space<vmem>>, vector<1x16xf32>,
        %parallel_loop3A_603 = vector.shape_cast %parallel_loop3A_602 : vector<1x16xf32> to vector<16xf32>
        %parallel_loop3A_604 = arith.mulf %parallel_loop3A_595, %parallel_loop3A_603 : vector<16xf32>
        %parallel_loop3A_605 = vector.extract_strided_slice %parallel_loop3A_289 {offsets = [15], sizes = [1], strides = [1]} : vector<16xf32> to vector<1xf32>
        %parallel_loop3A_606 = vector.extract %parallel_loop3A_605[0] : f32 from vector<1xf32>
        %parallel_loop3A_607 = vector.broadcast %parallel_loop3A_606 : f32 to vector<16xf32>
        %parallel_loop3A_608 = arith.mulf %parallel_loop3A_607, %parallel_loop3A_604 : vector<16xf32>
        %parallel_loop3A_609 = arith.addf %parallel_loop3A_286, %parallel_loop3A_608 : vector<16xf32>
        scf.yield %parallel_loop3A_309, %parallel_loop3A_329, %parallel_loop3A_349, %parallel_loop3A_369, %parallel_loop3A_389, %parallel_loop3A_409, %parallel_loop3A_429, %parallel_loop3A_449, %parallel_loop3A_469, %parallel_loop3A_489, %parallel_loop3A_509, %parallel_loop3A_529, %parallel_loop3A_549, %parallel_loop3A_569, %parallel_loop3A_589, %parallel_loop3A_609 : vector<16xf32>, vector<16xf32>, vector<16xf32>, vector<16xf32>, vector<16xf32>, vector<16xf32>, vector<16xf32>, vector<16xf32>, vector<16xf32>, vector<16xf32>, vector<16xf32>, vector<16xf32>, vector<16xf32>, vector<16xf32>, vector<16xf32>, vector<16xf32>
      } {sc.loop_unroll_factor = 1 : i64, sc.parallel_access}
      %add3A_258 = arith.constant 2 : i32
      %add3A_259 = arith.addi %add3A_227, %add3A_258 : i32
      %lt3A_260 = arith.constant 31 : i32
      %lt3A_261 = arith.cmpi slt, %add3A, %lt3A_260 : i32
      %convert_element_type3A_262 = arith.extui %lt3A_261 : i1 to i32
      %cond3A_263 = arith.constant 0 : i32
      %cond3A_264 = arith.cmpi ne, %convert_element_type3A_262, %cond3A_263 : i32
      scf.if %cond3A_264 {
        %mul3A_270 = arith.constant 1024 : i32
        %mul3A_271 = arith.muli %add3A_259, %mul3A_270 : i32
        %add3A_272 = arith.addi %multiple_of3A, %mul3A_271 : i32
        %multiple_of3A_273 = tpu.assume_multiple %add3A_272, 8 : i32
        %dma_start3A_274 = arith.constant 0 : i32
        %dma_start3A_275 = tpu.memref_slice %arg10[%dma_start3A_274] : memref<2048xi32, #tpu.memory_space<vmem>> -> memref<1024xi32, #tpu.memory_space<vmem>>
        %dma_start3A_276 = tpu.memref_slice %arg3[%multiple_of3A_273] : memref<2716384xi32, #tpu.memory_space<hbm>> -> memref<1024xi32, #tpu.memory_space<hbm>>
        %dma_start3A_277 = arith.constant 0 : i32
        %dma_start3A_278 = tpu.memref_slice %arg10[%dma_start3A_277] : memref<2048xi32, #tpu.memory_space<vmem>> -> memref<1024xi32, #tpu.memory_space<vmem>>
        %dma_start3A_279 = tpu.memref_slice %arg3[%multiple_of3A_273] : memref<2716384xi32, #tpu.memory_space<hbm>> -> memref<1024xi32, #tpu.memory_space<hbm>>
        tpu.enqueue_dma source(%dma_start3A_279 : memref<1024xi32, #tpu.memory_space<hbm>>) target(%dma_start3A_278 : memref<1024xi32, #tpu.memory_space<vmem>>) target_semaphore(%arg18 : memref<!tpu.dma_semaphore, #tpu.memory_space<semaphore_mem>>)
        %dma_start3A_280 = arith.constant 1024 : i32
        %dma_start3A_281 = tpu.memref_slice %arg10[%dma_start3A_280] : memref<2048xi32, #tpu.memory_space<vmem>> -> memref<1024xi32, #tpu.memory_space<vmem>>
        %dma_start3A_282 = tpu.memref_slice %arg4[%multiple_of3A_273] : memref<2716384xi32, #tpu.memory_space<hbm>> -> memref<1024xi32, #tpu.memory_space<hbm>>
        %dma_start3A_283 = arith.constant 1024 : i32
        %dma_start3A_284 = tpu.memref_slice %arg10[%dma_start3A_283] : memref<2048xi32, #tpu.memory_space<vmem>> -> memref<1024xi32, #tpu.memory_space<vmem>>
        %dma_start3A_285 = tpu.memref_slice %arg4[%multiple_of3A_273] : memref<2716384xi32, #tpu.memory_space<hbm>> -> memref<1024xi32, #tpu.memory_space<hbm>>
        tpu.enqueue_dma source(%dma_start3A_285 : memref<1024xi32, #tpu.memory_space<hbm>>) target(%dma_start3A_284 : memref<1024xi32, #tpu.memory_space<vmem>>) target_semaphore(%arg18 : memref<!tpu.dma_semaphore, #tpu.memory_space<semaphore_mem>>)
        %dma_start3A_286 = tpu.memref_slice %arg5[%multiple_of3A_273] : memref<2716384xf32, #tpu.memory_space<hbm>> -> memref<1024xf32, #tpu.memory_space<hbm>>
        %dma_start3A_287 = tpu.memref_slice %arg5[%multiple_of3A_273] : memref<2716384xf32, #tpu.memory_space<hbm>> -> memref<1024xf32, #tpu.memory_space<hbm>>
        tpu.enqueue_dma source(%dma_start3A_287 : memref<1024xf32, #tpu.memory_space<hbm>>) target(%arg12 : memref<1024xf32, #tpu.memory_space<vmem>>) target_semaphore(%arg18 : memref<!tpu.dma_semaphore, #tpu.memory_space<semaphore_mem>>)
      } else {
      }
      %ge3A_265 = arith.constant 31 : i32
      %ge3A_266 = arith.cmpi sge, %add3A, %ge3A_265 : i32
      %convert_element_type3A_267 = arith.extui %ge3A_266 : i1 to i32
      %cond3A_268 = arith.constant 0 : i32
      %cond3A_269 = arith.cmpi ne, %convert_element_type3A_267, %cond3A_268 : i32
      scf.if %cond3A_269 {
        %sub3A = arith.constant 31 : i32
        %sub3A_270 = arith.subi %add3A, %sub3A : i32
        %mul3A_271 = arith.constant 84992 : i32
        %mul3A_272 = arith.muli %sub3A_270, %mul3A_271 : i32
        %mul3A_273 = arith.constant 1024 : i32
        %mul3A_274 = arith.muli %add3A_259, %mul3A_273 : i32
        %add3A_275 = arith.addi %mul3A_272, %mul3A_274 : i32
        %multiple_of3A_276 = tpu.assume_multiple %add3A_275, 8 : i32
        %dma_start3A_277 = arith.constant 0 : i32
        %dma_start3A_278 = tpu.memref_slice %arg10[%dma_start3A_277] : memref<2048xi32, #tpu.memory_space<vmem>> -> memref<1024xi32, #tpu.memory_space<vmem>>
        %dma_start3A_279 = tpu.memref_slice %arg6[%multiple_of3A_276] : memref<87040xi32, #tpu.memory_space<hbm>> -> memref<1024xi32, #tpu.memory_space<hbm>>
        %dma_start3A_280 = arith.constant 0 : i32
        %dma_start3A_281 = tpu.memref_slice %arg10[%dma_start3A_280] : memref<2048xi32, #tpu.memory_space<vmem>> -> memref<1024xi32, #tpu.memory_space<vmem>>
        %dma_start3A_282 = tpu.memref_slice %arg6[%multiple_of3A_276] : memref<87040xi32, #tpu.memory_space<hbm>> -> memref<1024xi32, #tpu.memory_space<hbm>>
        tpu.enqueue_dma source(%dma_start3A_282 : memref<1024xi32, #tpu.memory_space<hbm>>) target(%dma_start3A_281 : memref<1024xi32, #tpu.memory_space<vmem>>) target_semaphore(%arg18 : memref<!tpu.dma_semaphore, #tpu.memory_space<semaphore_mem>>)
        %dma_start3A_283 = arith.constant 1024 : i32
        %dma_start3A_284 = tpu.memref_slice %arg10[%dma_start3A_283] : memref<2048xi32, #tpu.memory_space<vmem>> -> memref<1024xi32, #tpu.memory_space<vmem>>
        %dma_start3A_285 = tpu.memref_slice %arg7[%multiple_of3A_276] : memref<87040xi32, #tpu.memory_space<hbm>> -> memref<1024xi32, #tpu.memory_space<hbm>>
        %dma_start3A_286 = arith.constant 1024 : i32
        %dma_start3A_287 = tpu.memref_slice %arg10[%dma_start3A_286] : memref<2048xi32, #tpu.memory_space<vmem>> -> memref<1024xi32, #tpu.memory_space<vmem>>
        %dma_start3A_288 = tpu.memref_slice %arg7[%multiple_of3A_276] : memref<87040xi32, #tpu.memory_space<hbm>> -> memref<1024xi32, #tpu.memory_space<hbm>>
        tpu.enqueue_dma source(%dma_start3A_288 : memref<1024xi32, #tpu.memory_space<hbm>>) target(%dma_start3A_287 : memref<1024xi32, #tpu.memory_space<vmem>>) target_semaphore(%arg18 : memref<!tpu.dma_semaphore, #tpu.memory_space<semaphore_mem>>)
        %dma_start3A_289 = tpu.memref_slice %arg8[%multiple_of3A_276] : memref<87040xf32, #tpu.memory_space<hbm>> -> memref<1024xf32, #tpu.memory_space<hbm>>
        %dma_start3A_290 = tpu.memref_slice %arg8[%multiple_of3A_276] : memref<87040xf32, #tpu.memory_space<hbm>> -> memref<1024xf32, #tpu.memory_space<hbm>>
        tpu.enqueue_dma source(%dma_start3A_290 : memref<1024xf32, #tpu.memory_space<hbm>>) target(%arg12 : memref<1024xf32, #tpu.memory_space<vmem>>) target_semaphore(%arg18 : memref<!tpu.dma_semaphore, #tpu.memory_space<semaphore_mem>>)
      } else {
      }
      scf.yield %parallel_loop3A_257#0, %parallel_loop3A_257#1, %parallel_loop3A_257#2, %parallel_loop3A_257#3, %parallel_loop3A_257#4, %parallel_loop3A_257#5, %parallel_loop3A_257#6, %parallel_loop3A_257#7, %parallel_loop3A_257#8, %parallel_loop3A_257#9, %parallel_loop3A_257#10, %parallel_loop3A_257#11, %parallel_loop3A_257#12, %parallel_loop3A_257#13, %parallel_loop3A_257#14, %parallel_loop3A_257#15 : vector<16xf32>, vector<16xf32>, vector<16xf32>, vector<16xf32>, vector<16xf32>, vector<16xf32>, vector<16xf32>, vector<16xf32>, vector<16xf32>, vector<16xf32>, vector<16xf32>, vector<16xf32>, vector<16xf32>, vector<16xf32>, vector<16xf32>, vector<16xf32>
    }
    %scan3A_121 = arith.constant 41 : i32
    %dma_wait3A_122 = arith.constant 0 : i32
    %dma_wait3A_123 = tpu.memref_slice %arg10[%dma_wait3A_122] : memref<2048xi32, #tpu.memory_space<vmem>> -> memref<1024xi32, #tpu.memory_space<vmem>>
    %dma_wait3A_124 = arith.constant 0 : i32
    %dma_wait3A_125 = tpu.memref_slice %arg3[%dma_wait3A_124] : memref<2716384xi32, #tpu.memory_space<hbm>> -> memref<1024xi32, #tpu.memory_space<hbm>>
    %dma_wait3A_126 = arith.constant 0 : i32
    %dma_wait3A_127 = tpu.memref_slice %arg10[%dma_wait3A_126] : memref<2048xi32, #tpu.memory_space<vmem>> -> memref<1024xi32, #tpu.memory_space<vmem>>
    %dma_wait3A_128 = arith.constant 0 : i32
    %dma_wait3A_129 = tpu.memref_slice %arg3[%dma_wait3A_128] : memref<2716384xi32, #tpu.memory_space<hbm>> -> memref<1024xi32, #tpu.memory_space<hbm>>
    tpu.wait_dma2 semaphore(%arg18 : memref<!tpu.dma_semaphore, #tpu.memory_space<semaphore_mem>>) src(%dma_wait3A_129 : memref<1024xi32, #tpu.memory_space<hbm>>) dst(%dma_wait3A_127 : memref<1024xi32, #tpu.memory_space<vmem>>)
    %dma_wait3A_130 = arith.constant 1024 : i32
    %dma_wait3A_131 = tpu.memref_slice %arg10[%dma_wait3A_130] : memref<2048xi32, #tpu.memory_space<vmem>> -> memref<1024xi32, #tpu.memory_space<vmem>>
    %dma_wait3A_132 = arith.constant 0 : i32
    %dma_wait3A_133 = tpu.memref_slice %arg4[%dma_wait3A_132] : memref<2716384xi32, #tpu.memory_space<hbm>> -> memref<1024xi32, #tpu.memory_space<hbm>>
    %dma_wait3A_134 = arith.constant 1024 : i32
    %dma_wait3A_135 = tpu.memref_slice %arg10[%dma_wait3A_134] : memref<2048xi32, #tpu.memory_space<vmem>> -> memref<1024xi32, #tpu.memory_space<vmem>>
    %dma_wait3A_136 = arith.constant 0 : i32
    %dma_wait3A_137 = tpu.memref_slice %arg4[%dma_wait3A_136] : memref<2716384xi32, #tpu.memory_space<hbm>> -> memref<1024xi32, #tpu.memory_space<hbm>>
    tpu.wait_dma2 semaphore(%arg18 : memref<!tpu.dma_semaphore, #tpu.memory_space<semaphore_mem>>) src(%dma_wait3A_137 : memref<1024xi32, #tpu.memory_space<hbm>>) dst(%dma_wait3A_135 : memref<1024xi32, #tpu.memory_space<vmem>>)
    %dma_wait3A_138 = arith.constant 0 : i32
    %dma_wait3A_139 = tpu.memref_slice %arg5[%dma_wait3A_138] : memref<2716384xf32, #tpu.memory_space<hbm>> -> memref<1024xf32, #tpu.memory_space<hbm>>
    %dma_wait3A_140 = arith.constant 0 : i32
    %dma_wait3A_141 = tpu.memref_slice %arg5[%dma_wait3A_140] : memref<2716384xf32, #tpu.memory_space<hbm>> -> memref<1024xf32, #tpu.memory_space<hbm>>
    tpu.wait_dma2 semaphore(%arg18 : memref<!tpu.dma_semaphore, #tpu.memory_space<semaphore_mem>>) src(%dma_wait3A_141 : memref<1024xf32, #tpu.memory_space<hbm>>) dst(%arg12 : memref<1024xf32, #tpu.memory_space<vmem>>)
    %dma_wait3A_142 = arith.constant 0 : i32
    %dma_wait3A_143 = arith.constant 0 : i32
    %dma_wait3A_144 = tpu.memref_slice %arg17[%dma_wait3A_142, %dma_wait3A_143] : memref<16384x16xf32, #tpu.memory_space<vmem_shared>> -> memref<16384x16xf32, #tpu.memory_space<vmem_shared>>
    tpu.wait_indirect_dma semaphore(%arg21 : memref<!tpu.dma_semaphore, #tpu.memory_space<semaphore_mem>>) src(%dma_wait3A_144 : memref<16384x16xf32, #tpu.memory_space<vmem_shared>>) dst(%arg15 : memref<2048x16xf32, #tpu.memory_space<vmem>>)
    %add3A_145 = arith.addf %scan3A_120#0, %scan3A_120#1 : vector<16xf32>
    %add3A_146 = arith.addf %add3A_145, %scan3A_120#2 : vector<16xf32>
    %add3A_147 = arith.addf %add3A_146, %scan3A_120#3 : vector<16xf32>
    %add3A_148 = arith.addf %add3A_147, %scan3A_120#4 : vector<16xf32>
    %add3A_149 = arith.addf %add3A_148, %scan3A_120#5 : vector<16xf32>
    %add3A_150 = arith.addf %add3A_149, %scan3A_120#6 : vector<16xf32>
    %add3A_151 = arith.addf %add3A_150, %scan3A_120#7 : vector<16xf32>
    %add3A_152 = arith.addf %add3A_151, %scan3A_120#8 : vector<16xf32>
    %add3A_153 = arith.addf %add3A_152, %scan3A_120#9 : vector<16xf32>
    %add3A_154 = arith.addf %add3A_153, %scan3A_120#10 : vector<16xf32>
    %add3A_155 = arith.addf %add3A_154, %scan3A_120#11 : vector<16xf32>
    %add3A_156 = arith.addf %add3A_155, %scan3A_120#12 : vector<16xf32>
    %add3A_157 = arith.addf %add3A_156, %scan3A_120#13 : vector<16xf32>
    %add3A_158 = arith.addf %add3A_157, %scan3A_120#14 : vector<16xf32>
    %add3A_159 = arith.addf %add3A_158, %scan3A_120#15 : vector<16xf32>
    %swap3A = arith.constant 0 : index
    %swap3A_160 = tpu.vector_load %arg16[%swap3A] {strides = array<i32>} : memref<16xf32, #tpu.memory_space<vmem>>, vector<16xf32>,
    %swap3A_161 = vector.shape_cast %swap3A_160 : vector<16xf32> to vector<16xf32>
    %swap3A_162 = vector.shape_cast %add3A_159 : vector<16xf32> to vector<16xf32>
    tpu.vector_store %arg16[%swap3A], %swap3A_162 {strides = array<i32>} : memref<16xf32, #tpu.memory_space<vmem>>, vector<16xf32>,
    "tpu.region"() ({
      %run_scoped3A = tpu.sem_alloc : memref<!tpu.dma_semaphore, #tpu.memory_space<semaphore_mem>>
      %dma_start3A_163 = arith.constant 0 : i32
      %dma_start3A_164 = tpu.memref_slice %arg9[%add3A, %dma_start3A_163] : memref<32x16xf32, #tpu.memory_space<hbm>> -> memref<1x16xf32, #tpu.memory_space<hbm>>
      %dma_start3A_165 = tpu.memref_squeeze %dma_start3A_164 : memref<1x16xf32, #tpu.memory_space<hbm>> -> memref<16xf32, #tpu.memory_space<hbm>>
      %dma_start3A_166 = arith.constant 0 : i32
      %dma_start3A_167 = tpu.memref_slice %arg9[%add3A, %dma_start3A_166] : memref<32x16xf32, #tpu.memory_space<hbm>> -> memref<1x16xf32, #tpu.memory_space<hbm>>
      %dma_start3A_168 = tpu.memref_squeeze %dma_start3A_167 : memref<1x16xf32, #tpu.memory_space<hbm>> -> memref<16xf32, #tpu.memory_space<hbm>>
      tpu.enqueue_dma source(%arg16 : memref<16xf32, #tpu.memory_space<vmem>>) target(%dma_start3A_168 : memref<16xf32, #tpu.memory_space<hbm>>) target_semaphore(%run_scoped3A : memref<!tpu.dma_semaphore, #tpu.memory_space<semaphore_mem>>)
      %dma_wait3A_169 = arith.constant 0 : i32
      %dma_wait3A_170 = tpu.memref_slice %arg9[%add3A, %dma_wait3A_169] : memref<32x16xf32, #tpu.memory_space<hbm>> -> memref<1x16xf32, #tpu.memory_space<hbm>>
      %dma_wait3A_171 = tpu.memref_squeeze %dma_wait3A_170 : memref<1x16xf32, #tpu.memory_space<hbm>> -> memref<16xf32, #tpu.memory_space<hbm>>
      %dma_wait3A_172 = arith.constant 0 : i32
      %dma_wait3A_173 = tpu.memref_slice %arg9[%add3A, %dma_wait3A_172] : memref<32x16xf32, #tpu.memory_space<hbm>> -> memref<1x16xf32, #tpu.memory_space<hbm>>
      %dma_wait3A_174 = tpu.memref_squeeze %dma_wait3A_173 : memref<1x16xf32, #tpu.memory_space<hbm>> -> memref<16xf32, #tpu.memory_space<hbm>>
      tpu.wait_dma2 semaphore(%run_scoped3A : memref<!tpu.dma_semaphore, #tpu.memory_space<semaphore_mem>>) src(%arg16 : memref<16xf32, #tpu.memory_space<vmem>>) dst(%dma_wait3A_174 : memref<16xf32, #tpu.memory_space<hbm>>)
      tpu.yield
    }) : () -> ()
    return
  }
}

</mosaic_0001>

<sc_bundles>
// kernel: kernel.3.cloned.1.call-start
scs
__scs_entry_jumppad:
0x0: {  	(pc) =	sbr.rel $0x88, $3  }
0x1: {  	(tag) =	ssettag $0x0;
	lr =	simm.s32 $0x1  }
0x2: {  	[smem:$0x3F9C] =	sst lr;
	_ =	strace $0xD0000000  }
0x3: {  	_ = 	snop  }
0x4: {  	_ = 	snop  }
0x5: {  	_ = 	snop  }
0x6: {  	_ = 	snop  }
0x7: {  	_ = 	snop  }
__scs_overlays_trampoline_lowered:
0x8: {  	[smem:$0x3FAB] =	sst s0  }
0x9: {  	[smem:$0x3FAC] =	sst s1  }
0xa: {  	[smem:$0x3FAD] =	sst s2  }
0xb: {  	[smem:$0x3FAE] =	sst s3  }
0xc: {  	[smem:$0x3FAF] =	sst s4  }
0xd: {  	[smem:$0x3FB0] =	sst s5  }
0xe: {  	[smem:$0x3FB1] =	sst s6  }
0xf: {  	[smem:$0x3FB2] =	sst s7  }
0x10: {  	[smem:$0x3FB3] =	sst s8  }
0x11: {  	[smem:$0x3FB4] =	sst s9;
	s0 =	simm.s32 @!p0 $0x0  }
0x12: {  	s1 =	sld [smem:$0x3F9A];
	s0 =	simm.s32 @p0 $0x1  }
0x13: {  	[smem:$0x3FB5] =	sst s0;
	s0 =	simm.s32 @!p1 $0x0  }
0x14: {  	s2 =	sld [smem:$0x3F99];
	s0 =	simm.s32 @p1 $0x1  }
0x15: {  	[smem:$0x3FB6] =	sst s0;
	s0 =	simm.s32 @!p2 $0x0  }
0x16: {  	s3 =	sld [smem:$0x3FDB];
	s0 =	simm.s32 @p2 $0x1  }
0x17: {  	s4 =	simm.s32 $0x1BF5;
	[smem:$0x3FB8] =	sst s0  }
0x18: {  	s0 =	sld [smem:$0x3F9B];
	_ =	swait.ge [sflag:s4], $0x0  }
0x19: {  	s7 =	sld [smem:$0x3F9C]  }
0x1a: {  	s8 =	sadd.s32 $0xFFFFE003, lr  }
0x1b: {  	s9 =	sadd.s32 $0xFFFFFEF7, lr;
	s5 =	simm.s32 $0xFFFFFFFF;
	p2 =	slt.u32 s8, $0xFFFFF086  }
0x1c: {  	p1 =	slt.u32 s9, $0xF7A;
	s5 =	simm.s32 @!p2 $0x0  }
0x1d: {  	s5 =	simm.s32 @p1 $0x1;
	p0 =	seq.s32 s7, s2  }
0x1e: {  	s7 =	smul.u32 @!p0 $0xF7A, s2;
	p2 =	seq.s32 @!p0 s5, $0x0  }
0x1f: {  	s9 =	smul.u32 $0xF7A, s1;
	s8 =	simm.s32 @!p0 $0x1BF5;
	p2 =	por !p2, p0  }
0x20: {  	[sflag:s8] =	ssyncset.s32 @!p0 $0xFFFFF086;
	s6 =	sadd.s32 @!p0 s3, s7;
	s7 =	simm.s32 @!p0 $0x108  }
0x21: {  	s3 =	sadd.s32 s3, s9;
	s6 =	sadd.s32 @!p0 $0x88, s6;
	s7 =	simm.s32 @p2 $0x1082  }
0x22: {  	[simem:s7], [sflag:s8] =	dma.local @!p0 [hbm:s6], $0xF7A  }
0x23: {  	s9 =	sor.u32 $0xD0000000, s2;
	s6 =	simm.s32 $0x108;
	_ =	swait.ge @!p0 [sflag:s8], $0x0  }
0x24: {  	s3 =	sadd.s32 $0x88, s3;
	s6 =	simm.s32 @!p1 $0x1082;
	[sflag:s4] =	ssyncset.s32 $0xFFFFF086  }
0x25: {  	[simem:s6], [sflag:s4] =	dma.local [hbm:s3], $0xF7A  }
0x26: {  	[smem:$0x3F9C] =	sst s1;
	(tag) =	ssettag s2;
	_ =	strace s9  }
0x27: {  	s1 =	sld [smem:$0x3FAC]  }
0x28: {  	s2 =	sld [smem:$0x3FAD]  }
0x29: {  	s4 =	sld [smem:$0x3FAF]  }
0x2a: {  	p0 =	seq.s32 s5, $0x0;
	s5 =	sld [smem:$0x3FB0]  }
0x2b: {  	s6 =	sld [smem:$0x3FB1]  }
0x2c: {  	s7 =	sld [smem:$0x3FB2]  }
0x2d: {  	s3 =	simm.s32 $0x108;
	s8 =	sld [smem:$0x3FB3]  }
0x2e: {  	s3 =	simm.s32 @!p0 $0x1082;
	s9 =	sld [smem:$0x3FB4]  }
0x2f: {  	lr =	sadd.s32 s0, s3;
	s0 =	sld [smem:$0x3FAB]  }
0x30: {  	s3 =	sld [smem:$0x3FAE]  }
0x31: {  	[smem:$0x3FB7] =	sst s10  }
0x32: {  	s10 =	sld [smem:$0x3FB5];
	_ =	sdelay $0x3  }
0x33: {  	p0 =	seq.s32 s10, $0x1;
	s10 =	sld [smem:$0x3FB7];
	_ =	sdelay $0x3  }
0x34: {  	[smem:$0x3FB7] =	sst s10  }
0x35: {  	s10 =	sld [smem:$0x3FB6];
	_ =	sdelay $0x3  }
0x36: {  	p1 =	seq.s32 s10, $0x1;
	s10 =	sld [smem:$0x3FB7];
	_ =	sdelay $0x3  }
0x37: {  	[smem:$0x3FB7] =	sst s10  }
0x38: {  	s10 =	sld [smem:$0x3FB8]  }
0x39: {  	_ = 	snop;
	(pc) =	sbr.ind lr, $3  }
0x3a: {  	_ = 	snop  }
0x3b: {  	_ = 	snop  }
0x3c: {  	p2 =	seq.s32 s10, $0x1;
	s10 =	sld [smem:$0x3FB7]  }
0x3d: {  	_ =	shalt  }
0x3e: {  	_ =	shalt  }
0x3f: {  	_ =	shalt  }
0x40: {  	_ =	shalt  }
0x41: {  	_ =	shalt  }
0x42: {  	_ =	shalt  }
0x43: {  	_ =	shalt  }
0x44: {  	_ =	shalt  }
0x45: {  	_ =	shalt  }
0x46: {  	_ =	shalt  }
0x47: {  	_ =	shalt  }
0x48: {  	_ =	shalt  }
0x49: {  	_ =	shalt  }
0x4a: {  	_ =	shalt  }
0x4b: {  	_ =	shalt  }
0x4c: {  	_ =	shalt  }
0x4d: {  	_ =	shalt  }
0x4e: {  	_ =	shalt  }
0x4f: {  	_ =	shalt  }
0x50: {  	_ =	shalt  }
0x51: {  	_ =	shalt  }
0x52: {  	_ =	shalt  }
0x53: {  	_ =	shalt  }
0x54: {  	_ =	shalt  }
0x55: {  	_ =	shalt  }
0x56: {  	_ =	shalt  }
0x57: {  	_ =	shalt  }
0x58: {  	_ =	shalt  }
0x59: {  	_ =	shalt  }
0x5a: {  	_ =	shalt  }
0x5b: {  	_ =	shalt  }
0x5c: {  	_ =	shalt  }
0x5d: {  	_ =	shalt  }
0x5e: {  	_ =	shalt  }
0x5f: {  	_ =	shalt  }
0x60: {  	_ =	shalt  }
0x61: {  	_ =	shalt  }
0x62: {  	_ =	shalt  }
0x63: {  	_ =	shalt  }
0x64: {  	_ =	shalt  }
0x65: {  	_ =	shalt  }
0x66: {  	_ =	shalt  }
0x67: {  	_ =	shalt  }
0x68: {  	_ =	shalt  }
0x69: {  	_ =	shalt  }
0x6a: {  	_ =	shalt  }
0x6b: {  	_ =	shalt  }
0x6c: {  	_ =	shalt  }
0x6d: {  	_ =	shalt  }
0x6e: {  	_ =	shalt  }
0x6f: {  	_ =	shalt  }
0x70: {  	_ =	shalt  }
0x71: {  	_ =	shalt  }
0x72: {  	_ =	shalt  }
0x73: {  	_ =	shalt  }
0x74: {  	_ =	shalt  }
0x75: {  	_ =	shalt  }
0x76: {  	_ =	shalt  }
0x77: {  	_ =	shalt  }
0x78: {  	_ =	shalt  }
0x79: {  	_ =	shalt  }
0x7a: {  	_ =	shalt  }
0x7b: {  	_ =	shalt  }
0x7c: {  	_ =	shalt  }
0x7d: {  	_ =	shalt  }
0x7e: {  	_ =	shalt  }
0x7f: {  	_ =	shalt  }
0x80: {  	_ =	shalt  }
0x81: {  	_ =	shalt  }
0x82: {  	_ =	shalt  }
0x83: {  	_ =	shalt  }
0x84: {  	_ =	shalt  }
0x85: {  	_ =	shalt  }
0x86: {  	_ =	shalt  }
0x87: {  	_ =	shalt  }
.Lfunc_end0:
.L_simem_size_0:
called_computation_lowered:
.L_overlay_start_0:
0x88: {  	s2 =	sld [smem:$0x3FD9]  }
0x89: {  	s3 =	sld [smem:$0x3FFE];
	_ =	sdelay $0x1  }
0x8a: {  	s1 =	srdreg.scid  }
0x8b: {  	s0 =	sand.u32 $0x1, s1  }
0x8c: {  	s17 =	sshll.u32 s0, $0xA;
	s2 =	sadd.s32 s3, s2  }
0x8d: {  	s2 =	sadd.s32 s2, s17  }
0x8e: {  	[smem:$0x3FC3] =	sst s2  }
0x8f: {  	_ = 	snop  }
0x90: {  	s2 =	sld [smem:$0x3FC8]  }
0x91: {  	s18 =	sld [smem:$0x3FC7]  }
0x92: {  	s4 =	sld [smem:$0x3FC6];
	(tm) =	ssettm $0x1  }
0x93: {  	s5 =	sld [smem:$0x3FFB];
	_ =	sdelay $0x3  }
0x94: {  	_ =	strace s5  }
0x95: {  	s5 =	sld [smem:$0x3FFC];
	_ =	sdelay $0x3  }
0x96: {  	_ =	strace s5  }
0x97: {  	s5 =	sld [smem:$0x3FFD];
	_ =	sdelay $0x3  }
0x98: {  	_ =	strace s5  }
0x99: {  	_ =	strace $0x8FFFFFFF  }
0x9a: {  	s19 =	sld [smem:$0x3FDB];
	_ =	sdelay $0x1  }
0x9b: {  	s6 =	simm.s32 $_scs_section_size  }
0x9c: {  	s7 =	simm.s32 $_size__tile_overlayer_lowered;
	s8 =	simm.s32 $_tile_overlayer_lowered  }
0x9d: {  	s22 =	simm.s32 $0x1BFF;
	s21 =	sshll.u32 s8, $0x1;
	s5 =	sadd.s32 s6, s19  }
0x9e: {  	s9 =	simm.s32 $0x0;
	s20 =	sshll.u32 s7, $0x1;
	s7 =	sadd.s32 s21, s5  }
0x9f: {  	[timem:s9], [sflag:s22] =	dma.local [hbm:s7], s20  }
0xa0: {  	_ =	swait.ge [sflag:s22], s20  }
0xa1: {  	s6 =	ssub.s32 $0x0, s20;
	[sflag:s22] =	ssyncset.done $0x0  }
0xa2: {  	[sflag:s22] =	ssyncadd.s32 s6;
	_ =	sdelay $0x1  }
0xa3: {  	s23 =	simm.s32 $0x1B8B  }
0xa4: {  	_ =	swait.ge [sflag:s23], $0x1  }
0xa5: {  	[sflag:s23] =	ssyncset.done $0x0  }
0xa6: {  	s25 =	simm.s32 $0x1B8E;
	s24 =	sld [smem:$0x3FFE];
	[sflag:s23] =	ssyncadd.s32 $0xFFFFFFFF  }
0xa7: {  	s26 =	simm.s32 $execute0_lowered;
	[smem:$0x3FD2] =	sst s25  }
0xa8: {  	s7 =	sshll.u32 s26, $0x1;
	_ =	strace $0x80000046;
	[dreg:$0x1] =	wrdreg $0xFFFFFFFF  }
0xa9: {  	s28 =	simm.s32 $_size_execute0_lowered;
	s5 =	sadd.s32 s5, s7;
	[dreg:$0x0] =	wrdreg $0x0  }
0xaa: {  	s7 =	sshll.u32 s28, $0x1;
	[dreg:$0x2] =	wrdreg s5  }
0xab: {  	[dreg:$0x3] =	wrdreg s7  }
0xac: {  	[dreg:$0x4] =	wrdreg $0xC0  }
0xad: {  	_ =	task [dreg:s9], $0x5FFFF  }
0xae: {  	[dreg:$0x1] =	wrdreg $0xFFFFFFFF  }
0xaf: {  	[dreg:$0x0] =	wrdreg $0x60  }
0xb0: {  	[dreg:$0x2] =	wrdreg s24  }
0xb1: {  	[dreg:$0x3] =	wrdreg s18  }
0xb2: {  	[dreg:$0x4] =	wrdreg s4  }
0xb3: {  	[dreg:$0x5] =	wrdreg s2  }
0xb4: {  	[dreg:$0x6] =	wrdreg $0x118100  }
0xb5: {  	[dreg:$0x7] =	wrdreg $0x9  }
0xb6: {  	_ =	task.clear_ibuf [dreg:s9], $0x8FFFF;
	_ =	strace $0x90000046  }
0xb7: {  	s29 =	simm.s32 $0x9;
	_ =	strace $0x80000048  }
0xb8: {  	_ =	swait.ge [sflag:s29], $0x1  }
0xb9: {  	[sflag:s29] =	ssyncadd.s32 $0xFFFFFFFF  }
0xba: {  	_ =	strace $0x90000048  }
0xbb: {  	_ =	sfence  }
0xbc: {  	s30 =	sld [smem:$0x0];
	_ =	sdelay $0x2  }
0xbd: {  	s31 =	sshll.u32 s1, $0xD;
	s1 =	sshrl.u32 s1, $0x2  }
0xbe: {  	s3 =	sand.u32 $0x4000, s31;
	s1 =	sadd.s32 s1, s30  }
0xbf: {  	s0 =	sor.u32 s3, s0;
	s1 =	sshll.u32 s1, $0x11  }
0xc0: {  	s0 =	sor.u32 s1, s0  }
0xc1: {  	s0 =	sadd.s32 $0x8F2B, s0  }
0xc2: {  	[sflag:s0] =	ssyncadd.remote.s32 $0x1  }
0xc3: {  	_ =	sfence.sel $0xFFFF  }
0xc4: {  	[dreg:$0x0] =	wrdreg $0xFFFFFFFF;
	(pc) =	sbr.abs _section_cstart, $3  }
0xc5: {  	[dreg:$0x1] =	wrdreg $0xFFFFFFFF  }
0xc6: {  	_ =	task.clear_ibuf [dreg:s9], $0x2FFFF;
	_ =	strace $0x9FFFFFFF  }
0xc7: {  	(tm) =	ssettm $0x7FFFFFFF  }
tec
execute0_lowered:
.L_overlay_start_1:
0x0: {  	(tag) =	ssettag $0x1  }
0x1: {  	s0 =	rddreg [dreg:$0x0]  }
0x2: {  	s1 =	rddreg [dreg:$0x1]  }
0x3: {  	s2 =	rddreg [dreg:$0x2]  }
0x4: {  	s3 =	rddreg [dreg:$0x3]  }
0x5: {  	s4 =	rddreg [dreg:$0x4]  }
0x6: {  	s5 =	simm.s32 $0x0;
	s6 =	srdreg.scid;
	s11 =	stileid.u32  }
0x7: {  	s28 =	simm.s32 $0x1800;
	s29 =	simm.s32 $0x2;
	s30 =	simm.s32 $0x9800  }
0x8: {  	s31 =	simm.s32 $0x3;
	[smem:$0x7FF] =	sst s5;
	s6 =	sand.u32 $0x1, s6  }
0x9: {  	s8 =	sshll.u32 s11, $0x1;
	s7 =	sadd.s32 $0xC00, s0;
	s10 =	sadd.s32 $0xE400, s0  }
0xa: {  	s20 =	sadd.s32 $0xB880, s0;
	s19 =	sadd.s32 $0xB900, s0;
	s21 =	sadd.s32 $0x8D00, s0  }
0xb: {  	p1 =	sne.s32 s11, $0x0;
	_ =	strace $0x80000047;
	[dreg:$0x6] =	wrdreg s7  }
0xc: {  	s7 =	sadd.s32 $0xB800, s0;
	s12 =	sor.u32 s6, s8;
	s8 =	sadd.s32 $0x8C00, s0  }
0xd: {  	s6 =	ssub.s32 $0x2, s6;
	s9 =	smul.u32 $0x14C00, s12;
	s13 =	sshll.u32 s12, $0x1  }
0xe: {  	s14 =	sshrl.u32 s6, $0x1;
	p0 =	seq.s32 s12, $0x1F;
	s13 =	sadd.s32 s13, s0  }
0xf: {  	s12 =	sadd.s32 $0xE500, s0;
	s6 =	ssub.s32 s6, s14;
	s13 =	sadd.s32 $0x11000, s13  }
0x10: {  	s17 =	sshrl.u32 s9, $0x3;
	s6 =	smax.u32 s6, $0x1;
	[dreg:$0xc] =	wrdreg s13  }
0x11: {  	s23 =	sadd.s32 s1, s17;
	s24 =	sadd.s32 $0x80, s17;
	[dreg:$0xd] =	wrdreg s6  }
0x12: {  	s25 =	sadd.s32 s2, s17;
	s14 =	sadd.s32 s3, s17;
	[dreg:$0x7] =	wrdreg s23  }
0x13: {  	s26 =	sadd.s32 $0x100, s17;
	s6 =	simm.s32 $0x0;
	[dreg:$0x8] =	wrdreg s25  }
0x14: {  	s15 =	sadd.s32 s1, s24;
	s22 =	sadd.s32 s2, s24;
	s16 =	sadd.s32 s3, s24  }
0x15: {  	s17 =	sadd.s32 s1, s26;
	s18 =	sadd.s32 s2, s26;
	s14 =	smov.u32 @p0 s10  }
0x16: {  	s23 =	simm.s32 $0x800;
	s25 =	simm.s32 $0x1400;
	s24 =	simm.s32 $0x4  }
0x17: {  	s17 =	smov.u32 @p0 s19;
	s19 =	sadd.s32 s3, s26;
	s18 =	smov.u32 @p0 s21  }
0x18: {  	[dreg:$0x9] =	wrdreg s14;
	s15 =	smov.u32 @p0 s20;
	s26 =	simm.s32 $0x1  }
0x19: {  	s19 =	smov.u32 @p0 s12;
	s12 =	sadd.s32 $0x8C80, s0;
	s0 =	sadd.s32 $0xE480, s0  }
0x1a: {  	[dreg:$0xa] =	wrdreg s15;
	s22 =	smov.u32 @p0 s12;
	s16 =	smov.u32 @p0 s0  }
0x1b: {  	s0 =	simm.s32 $0x5;
	[dreg:$0xb] =	wrdreg s22;
	s22 =	simm.s32 $0x1000  }
.LBB2_1:
0x1c: {  	s11 =	simm.s32 @p0 $0x0  }
0x1d: {  	[tilespmem:s11], [sflag:$0x1] =	stream.linear.gather @p0 [hbm4b:s7+s11], $0x400, $0x38;
	[tilespmem:$0x15810] =	vst v63  }
0x1e: {  	s12 =	simm.s32 @p0 $0x400  }
0x1f: {  	[tilespmem:s12], [sflag:$0x1] =	stream.linear.gather @p0 [hbm4b:s8+s11], $0x400, $0x38;
	[tilespmem:$0x15810] =	vst v63  }
0x20: {  	s11 =	simm.s32 @!p0 $0x0;
	s12 =	rddreg [dreg:$0x7]  }
0x21: {  	[tilespmem:s11], [sflag:$0x1] =	stream.linear.gather @!p0 [hbm4b:s12+s11], $0x400, $0x38;
	[tilespmem:$0x15810] =	vst v63  }
0x22: {  	s13 =	rddreg [dreg:$0x8];
	s12 =	simm.s32 @!p0 $0x400  }
0x23: {  	[tilespmem:s12], [sflag:$0x1] =	stream.linear.gather @!p0 [hbm4b:s13+s11], $0x400, $0x38;
	[tilespmem:$0x15810] =	vst v63  }
0x24: {  	s14 =	rddreg [dreg:$0x9]  }
0x25: {  	[tilespmem:s22], [sflag:$0x1] =	stream.linear.gather [hbm4b:s14+s5], $0x400, $0x38;
	[tilespmem:$0x15810] =	vst v63  }
0x26: {  	s15 =	rddreg [dreg:$0xa]  }
0x27: {  	[tilespmem:s23], [sflag:$0x2] =	stream.linear.gather [hbm4b:s15+s5], $0x400, $0x38;
	[tilespmem:$0x15810] =	vst v63  }
0x28: {  	s20 =	rddreg [dreg:$0xb];
	s21 =	simm.s32 $0xC00  }
0x29: {  	[tilespmem:s21], [sflag:$0x2] =	stream.linear.gather [hbm4b:s20+s5], $0x400, $0x38;
	[tilespmem:$0x15810] =	vst v63  }
0x2a: {  	s11 =	sshrl.u32 @!p1 s4, $0x3;
	s12 =	simm.s32 @!p1 $0x1C05;
	s13 =	rddreg [dreg:$0x6]  }
0x2b: {  	[tilespmem:s25], [sflag:$0x2] =	stream.linear.gather [hbm4b:s16+s5], $0x400, $0x38;
	[tilespmem:$0x15810] =	vst v63  }
0x2c: {  	[spmem:s11], [sflag:s12] =	dma.local @!p1 [hbm:s13], $0x8000  }
0x2d: {  	s11 =	simm.s32 @!p1 $0x5  }
0x2e: {  	_ =	swait.ge @!p1 [sflag:s11], $0x8000  }
0x2f: {  	[sflag:s11] =	ssyncset.done @!p1 $0x0  }
0x30: {  	[sflag:s11] =	ssyncadd.s32 @!p1 $0xFFFF8000  }
0x31: {  	[bflag:$0x0] =	sbarrier.arrive $0xFFFF  }
0x32: {  	_ =	swait.ge [sflag:s26], $0x400  }
0x33: {  	[sflag:s26] =	ssyncset.done $0x0  }
0x34: {  	[sflag:s26] =	ssyncadd.s32 $0xFFFFFC00  }
0x35: {  	_ =	swait.ge [sflag:s26], $0x400  }
0x36: {  	[sflag:s26] =	ssyncset.done $0x0  }
0x37: {  	[sflag:s26] =	ssyncadd.s32 $0xFFFFFC00  }
0x38: {  	_ =	swait.ge [sflag:s26], $0x400  }
0x39: {  	[sflag:s26] =	ssyncset.done $0x0  }
0x3a: {  	[sflag:s26] =	ssyncadd.s32 $0xFFFFFC00  }
0x3b: {  	[tilespmem:s28], [sflag:$0x3] =	stream.indirect.gather [spmem:s4], $0x10, s5, s23, $0xb8;
	[tilespmem:$0x15810] =	vst v63  }
0x3c: {  	_ =	swait.ge [sflag:s29], $0x400  }
0x3d: {  	[sflag:s29] =	ssyncset.done $0x0  }
0x3e: {  	[sflag:s29] =	ssyncadd.s32 $0xFFFFFC00  }
0x3f: {  	_ =	swait.ge [sflag:s29], $0x400  }
0x40: {  	[sflag:s29] =	ssyncset.done $0x0  }
0x41: {  	[sflag:s29] =	ssyncadd.s32 $0xFFFFFC00  }
0x42: {  	_ =	swait.ge [sflag:s29], $0x400  }
0x43: {  	[sflag:s29] =	ssyncset.done $0x0  }
0x44: {  	[sflag:s29] =	ssyncadd.s32 $0xFFFFFC00  }
0x45: {  	[tilespmem:s30], [sflag:$0x4] =	stream.indirect.gather [spmem:s4], $0x10, s23, s23, $0xb8;
	[tilespmem:$0x15810] =	vst v63  }
0x46: {  	_ =	swait.ge [sflag:s31], $0x8000  }
0x47: {  	[sflag:s31] =	ssyncset.done $0x0  }
0x48: {  	[sflag:s31] =	ssyncadd.s32 $0xFFFF8000  }
0x49: {  	s11 =	simm.s32 $0x58F0;
	v9 =	vld [tilespmem:s22+$0x0]  }
0x4a: {  	v0 =	vld [tilespmem:s11+$0xFFFFC000]  }
0x4b: {  	v1 =	vld [tilespmem:s11+$0x0]  }
0x4c: {  	v2 =	vld [tilespmem:s11+$0xFFFFBF10]  }
0x4d: {  	v3 =	vld [tilespmem:s11+$0xFFFFFF10]  }
0x4e: {  	v4 =	vld [tilespmem:s11+$0xFFFFBF20]  }
0x4f: {  	v5 =	vld [tilespmem:s11+$0xFFFFFF20]  }
0x50: {  	v6 =	vld [tilespmem:s11+$0xFFFFBF30]  }
0x51: {  	v7 =	vld [tilespmem:s11+$0xFFFFFF30]  }
0x52: {  	v8 =	vld [tilespmem:s11+$0xFFFFBF40]  }
0x53: {  	v10 =	vld [tilespmem:s11+$0xFFFFFF40]  }
0x54: {  	v12 =	vld [tilespmem:s11+$0xFFFFBF50]  }
0x55: {  	v16 =	vld [tilespmem:s11+$0xFFFFFF50];
	v11 =	vbroadcast v9, $0x0;
	v13 =	vbroadcast v9, $0x1  }
0x56: {  	v20 =	vld [tilespmem:s11+$0xFFFFFF60];
	v15 =	vbroadcast v9, $0x2;
	v17 =	vbroadcast v9, $0x3  }
0x57: {  	v22 =	vld [tilespmem:s11+$0xFFFFBF70];
	v0 =	vmul.f32 v1, v0;
	v14 =	vbroadcast v9, $0xF  }
0x58: {  	v24 =	vld [tilespmem:s11+$0xFFFFFF70];
	v18 =	vbroadcast v9, $0x4;
	v21 =	vbroadcast v9, $0x5  }
0x59: {  	v29 =	vld [tilespmem:s11+$0xFFFFFFB0];
	v2 =	vmul.f32 v3, v2;
	v23 =	vbroadcast v9, $0x6  }
0x5a: {  	v1 =	vld [tilespmem:s11+$0xFFFFBF60];
	v25 =	vbroadcast v9, $0x7;
	v3 =	vmul.f32 v5, v4  }
0x5b: {  	v4 =	vld [tilespmem:s11+$0xFFFFBF80];
	v26 =	vbroadcast v9, $0x8;
	v27 =	vbroadcast v9, $0x9  }
0x5c: {  	v5 =	vld [tilespmem:s11+$0xFFFFFF80];
	v28 =	vbroadcast v9, $0xA;
	v6 =	vmul.f32 v7, v6  }
0x5d: {  	v7 =	vld [tilespmem:s11+$0xFFFFBF90];
	v8 =	vmul.f32 v10, v8;
	v12 =	vmul.f32 v16, v12  }
0x5e: {  	v10 =	vld [tilespmem:s11+$0xFFFFFF90];
	v19 =	vbroadcast v9, $0xC;
	v0 =	vmul.f32 v0, v14  }
0x5f: {  	v16 =	vld [tilespmem:s11+$0xFFFFFFA0];
	v14 =	vbroadcast v9, $0xB;
	v2 =	vmul.f32 v2, v11  }
0x60: {  	v3 =	vmul.f32 v3, v13;
	v13 =	vld [tilespmem:s11+$0xFFFFBFA0];
	v6 =	vmul.f32 v6, v15  }
0x61: {  	v11 =	vimm.f32 $0.0e+00;
	v15 =	vbroadcast v9, $0xD;
	v8 =	vmul.f32 v8, v17;
	v17 =	vld [tilespmem:s11+$0xFFFFBFB0]  }
0x62: {  	v12 =	vmul.f32 v12, v18;
	v20 =	vmul.f32 v20, v1;
	v1 =	vadd.f32 v2, v11  }
0x63: {  	v30 =	vld [tilespmem:s11+$0xFFFFFFC0];
	v2 =	vadd.f32 v3, v11;
	v3 =	vadd.f32 v6, v11;
	v6 =	vmul.f32 v24, v22  }
0x64: {  	v0 =	vadd.f32 v0, v11;
	v24 =	vld [tilespmem:s11+$0xFFFFBFC0];
	v7 =	vmul.f32 v10, v7;
	v18 =	vmul.f32 v20, v21  }
0x65: {  	v20 =	vmul.f32 v5, v4;
	v4 =	vadd.f32 v8, v11;
	v8 =	vmul.f32 v16, v13  }
0x66: {  	v5 =	vadd.f32 v12, v11;
	v10 =	vmul.f32 v6, v23;
	v21 =	vld [tilespmem:s11+$0xFFFFFFD0];
	v17 =	vmul.f32 v29, v17  }
0x67: {  	v13 =	vmul.f32 v7, v26;
	v12 =	vmul.f32 v20, v25;
	v20 =	vld [tilespmem:s11+$0xFFFFBFD0];
	v6 =	vadd.f32 v18, v11  }
0x68: {  	v22 =	vld [tilespmem:s11+$0xFFFFBFE0];
	v16 =	vmul.f32 v8, v27;
	v8 =	vadd.f32 v10, v11;
	v26 =	vmul.f32 v17, v28  }
0x69: {  	v23 =	vld [tilespmem:s11+$0xFFFFFFE0];
	v17 =	vimm.f32 $0.0e+00;
	v18 =	vimm.f32 $0.0e+00;
	v27 =	vmul.f32 v30, v24  }
0x6a: {  	v25 =	vld [tilespmem:s11+$0xFFFFFFF0];
	v7 =	vadd.f32 v12, v11;
	v12 =	vbroadcast v9, $0xE;
	v9 =	vadd.f32 v13, v11  }
0x6b: {  	s20 =	simm.s32 $0x1010;
	s12 =	simm.s32 $0x0;
	v24 =	vld [tilespmem:s11+$0xFFFFBFF0];
	v10 =	vadd.f32 v16, v11;
	v13 =	vimm.f32 $0.0e+00;
	v16 =	vimm.f32 $0.0e+00  }
.LBB2_2:
0x6c: {  	v28 =	vld [tilespmem:s20+$0x0];
	v11 =	vadd.f32 v26, v11;
	v14 =	vmul.f32 v27, v14;
	v20 =	vmul.f32 v21, v20;
	s11 =	sadd.s32 $0x100, s11  }
0x6d: {  	v21 =	vld [tilespmem:s11+$0xFFFFC000]  }
0x6e: {  	s12 =	sadd.s32 $0x10, s12;
	v26 =	vld [tilespmem:s11+$0x0];
	v13 =	vadd.f32 v14, v13;
	v14 =	vmul.f32 v20, v19;
	v19 =	vmul.f32 v23, v22  }
0x6f: {  	p2 =	slt.u32 s12, $0x3F0;
	v20 =	vld [tilespmem:s11+$0xFFFFBF10]  }
0x70: {  	v22 =	vld [tilespmem:s11+$0xFFFFFF10];
	v16 =	vadd.f32 v14, v16;
	v14 =	vmul.f32 v19, v15;
	v23 =	vmul.f32 v25, v24  }
0x71: {  	v24 =	vbroadcast v28, $0x0;
	v15 =	vld [tilespmem:s11+$0xFFFFBF20];
	v25 =	vbroadcast v28, $0x1  }
0x72: {  	v27 =	vbroadcast v28, $0x2;
	v29 =	vbroadcast v28, $0x3;
	v19 =	vld [tilespmem:s11+$0xFFFFFF20];
	v17 =	vadd.f32 v14, v17  }
0x73: {  	v14 =	vld [tilespmem:s11+$0xFFFFBF30];
	v21 =	vmul.f32 v26, v21;
	v26 =	vbroadcast v28, $0xF  }
0x74: {  	v31 =	vbroadcast v28, $0x4;
	v32 =	vbroadcast v28, $0x5;
	v30 =	vld [tilespmem:s11+$0xFFFFFF30]  }
0x75: {  	v20 =	vmul.f32 v22, v20;
	v22 =	vld [tilespmem:s11+$0xFFFFBF40];
	v21 =	vmul.f32 v21, v26  }
0x76: {  	v33 =	vbroadcast v28, $0x6;
	v34 =	vbroadcast v28, $0x7;
	v26 =	vld [tilespmem:s11+$0xFFFFFF40]  }
0x77: {  	v37 =	vbroadcast v28, $0x8;
	v35 =	vmul.f32 v19, v15;
	v36 =	vld [tilespmem:s11+$0xFFFFBF50];
	v0 =	vadd.f32 v21, v0  }
0x78: {  	v38 =	vbroadcast v28, $0x9;
	v39 =	vbroadcast v28, $0xA;
	v21 =	vld [tilespmem:s11+$0xFFFFFF50]  }
0x79: {  	v30 =	vmul.f32 v30, v14;
	v40 =	vld [tilespmem:s11+$0xFFFFBF60];
	v14 =	vbroadcast v28, $0xB  }
0x7a: {  	v19 =	vbroadcast v28, $0xC;
	v15 =	vbroadcast v28, $0xD;
	v41 =	vld [tilespmem:s11+$0xFFFFFF60]  }
0x7b: {  	v28 =	vbroadcast v28, $0xE;
	v22 =	vmul.f32 v26, v22;
	v26 =	vld [tilespmem:s11+$0xFFFFBF70]  }
0x7c: {  	v20 =	vmul.f32 v20, v24;
	v24 =	vmul.f32 v35, v25;
	v25 =	vld [tilespmem:s11+$0xFFFFFF70]  }
0x7d: {  	v27 =	vmul.f32 v30, v27;
	v21 =	vmul.f32 v21, v36;
	v30 =	vld [tilespmem:s11+$0xFFFFBF80]  }
0x7e: {  	v23 =	vmul.f32 v23, v12;
	v1 =	vadd.f32 v20, v1;
	v12 =	vmovc v28;
	v20 =	vmul.f32 v22, v29;
	v22 =	vld [tilespmem:s11+$0xFFFFFF80]  }
0x7f: {  	v2 =	vadd.f32 v24, v2;
	v21 =	vmul.f32 v21, v31;
	v24 =	vmul.f32 v41, v40;
	v28 =	vld [tilespmem:s11+$0xFFFFBF90]  }
0x80: {  	v3 =	vadd.f32 v27, v3;
	v4 =	vadd.f32 v20, v4;
	v20 =	vld [tilespmem:s11+$0xFFFFFF90]  }
0x81: {  	v5 =	vadd.f32 v21, v5;
	v21 =	vmul.f32 v24, v32;
	v24 =	vmul.f32 v25, v26;
	v25 =	vld [tilespmem:s11+$0xFFFFBFA0]  }
0x82: {  	v18 =	vadd.f32 v23, v18;
	v26 =	vld [tilespmem:s11+$0xFFFFFFA0]  }
0x83: {  	v6 =	vadd.f32 v21, v6;
	v21 =	vmul.f32 v24, v33;
	v22 =	vmul.f32 v22, v30;
	v23 =	vld [tilespmem:s11+$0xFFFFBFB0]  }
0x84: {  	v24 =	vld [tilespmem:s11+$0xFFFFFFB0]  }
0x85: {  	v8 =	vadd.f32 v21, v8;
	v21 =	vmul.f32 v22, v34;
	v20 =	vmul.f32 v20, v28;
	v27 =	vld [tilespmem:s11+$0xFFFFBFC0]  }
0x86: {  	v28 =	vld [tilespmem:s11+$0xFFFFFFC0]  }
0x87: {  	v7 =	vadd.f32 v21, v7;
	v22 =	vmul.f32 v20, v37;
	v25 =	vmul.f32 v26, v25;
	v20 =	vld [tilespmem:s11+$0xFFFFBFD0]  }
.Ltmp0:
0x88: {  	v21 =	vld [tilespmem:s11+$0xFFFFFFD0];
	(pc) =	sbr.rel @p2 .LBB2_2-.Ltmp0, $4  }
0x89: {  	v9 =	vadd.f32 v22, v9;
	v25 =	vmul.f32 v25, v38;
	v24 =	vmul.f32 v24, v23;
	v22 =	vld [tilespmem:s11+$0xFFFFBFE0]  }
0x8a: {  	v23 =	vld [tilespmem:s11+$0xFFFFFFE0]  }
0x8b: {  	v10 =	vadd.f32 v25, v10;
	v26 =	vmul.f32 v24, v39;
	v27 =	vmul.f32 v28, v27;
	v24 =	vld [tilespmem:s11+$0xFFFFBFF0]  }
0x8c: {  	s20 =	sadd.s32 $0x10, s20;
	v25 =	vld [tilespmem:s11+$0xFFFFFFF0]  }
0x8d: {  	_ =	sdelay $0x2  }
0x8e: {  	s11 =	simm.s32 $0x0;
	v20 =	vmul.f32 v21, v20  }
0x8f: {  	[tilespmem:s11], [sflag:$0x1] =	stream.linear.gather [hbm4b:s17+s11], $0x400, $0x38;
	v60 =	vmul.f32 v23, v22;
	v61 =	vmul.f32 v25, v24;
	[tilespmem:$0x15810] =	vst v63  }
0x90: {  	s12 =	simm.s32 $0x400;
	v62 =	vmul.f32 v27, v14;
	v19 =	vmul.f32 v20, v19  }
0x91: {  	v14 =	vadd.f32 v26, v11;
	[tilespmem:s12], [sflag:$0x1] =	stream.linear.gather [hbm4b:s18+s11], $0x400, $0x38;
	v11 =	vmul.f32 v60, v15;
	v63 =	vmul.f32 v61, v12;
	[tilespmem:$0x15810] =	vst v63  }
0x92: {  	v15 =	vadd.f32 v62, v13;
	v13 =	vadd.f32 v19, v16  }
0x93: {  	[tilespmem:s22], [sflag:$0x1] =	stream.linear.gather [hbm4b:s19+s11], $0x400, $0x38;
	v12 =	vadd.f32 v11, v17;
	v11 =	vadd.f32 v63, v18;
	[tilespmem:$0x15810] =	vst v63  }
.LBB2_4:
0x94: {  	_ =	swait.ge [sflag:s26], $0x400  }
0x95: {  	[sflag:s26] =	ssyncset.done $0x0  }
0x96: {  	[sflag:s26] =	ssyncadd.s32 $0xFFFFFC00  }
0x97: {  	_ =	swait.ge [sflag:s26], $0x400  }
0x98: {  	[sflag:s26] =	ssyncset.done $0x0  }
0x99: {  	[sflag:s26] =	ssyncadd.s32 $0xFFFFFC00  }
0x9a: {  	_ =	swait.ge [sflag:s26], $0x400  }
0x9b: {  	[sflag:s26] =	ssyncset.done $0x0  }
0x9c: {  	[sflag:s26] =	ssyncadd.s32 $0xFFFFFC00  }
0x9d: {  	[tilespmem:s28], [sflag:$0x3] =	stream.indirect.gather [spmem:s4], $0x10, s5, s23, $0xb8;
	[tilespmem:$0x15810] =	vst v63  }
0x9e: {  	_ =	swait.ge [sflag:s24], $0x8000  }
0x9f: {  	[sflag:s24] =	ssyncset.done $0x0  }
0xa0: {  	s13 =	simm.s32 $0x1400;
	[sflag:s24] =	ssyncadd.s32 $0xFFFF8000  }
0xa1: {  	s12 =	simm.s32 $0xD8F0;
	v16 =	vld [tilespmem:s13+$0x0]  }
0xa2: {  	v17 =	vld [tilespmem:s12+$0xFFFFC000]  }
0xa3: {  	v18 =	vld [tilespmem:s12+$0x0]  }
0xa4: {  	v19 =	vld [tilespmem:s12+$0xFFFFBF10]  }
0xa5: {  	v20 =	vld [tilespmem:s12+$0xFFFFFF10]  }
0xa6: {  	v21 =	vld [tilespmem:s12+$0xFFFFBF20]  }
0xa7: {  	v22 =	vld [tilespmem:s12+$0xFFFFFF20]  }
0xa8: {  	v23 =	vld [tilespmem:s12+$0xFFFFBF30]  }
0xa9: {  	v24 =	vld [tilespmem:s12+$0xFFFFFF30]  }
0xaa: {  	v25 =	vld [tilespmem:s12+$0xFFFFBF40]  }
0xab: {  	v26 =	vld [tilespmem:s12+$0xFFFFFF40];
	v28 =	vbroadcast v16, $0x0  }
0xac: {  	v27 =	vld [tilespmem:s12+$0xFFFFBF50];
	v29 =	vbroadcast v16, $0x1;
	v31 =	vbroadcast v16, $0x2  }
0xad: {  	v30 =	vld [tilespmem:s12+$0xFFFFFF50];
	v32 =	vbroadcast v16, $0x3;
	v17 =	vmul.f32 v18, v17  }
0xae: {  	v33 =	vld [tilespmem:s12+$0xFFFFBF60];
	v18 =	vbroadcast v16, $0xF;
	v35 =	vbroadcast v16, $0x4  }
0xaf: {  	v34 =	vld [tilespmem:s12+$0xFFFFFF60];
	v36 =	vbroadcast v16, $0x5;
	v19 =	vmul.f32 v20, v19  }
0xb0: {  	v37 =	vld [tilespmem:s12+$0xFFFFBF70];
	v38 =	vbroadcast v16, $0x6;
	v39 =	vbroadcast v16, $0x7  }
0xb1: {  	v40 =	vld [tilespmem:s12+$0xFFFFBF80];
	v23 =	vmul.f32 v24, v23;
	v24 =	vmul.f32 v26, v25  }
0xb2: {  	v41 =	vld [tilespmem:s12+$0xFFFFFF90];
	v26 =	vbroadcast v16, $0x9;
	v42 =	vbroadcast v16, $0xA  }
0xb3: {  	v59 =	vld [tilespmem:s12+$0xFFFFBFA0];
	v27 =	vmul.f32 v30, v27;
	v17 =	vmul.f32 v17, v18  }
0xb4: {  	v60 =	vld [tilespmem:s12+$0xFFFFFFA0];
	v18 =	vmul.f32 v22, v21;
	v21 =	vbroadcast v16, $0x8  }
0xb5: {  	v20 =	vld [tilespmem:s12+$0xFFFFFF70];
	v28 =	vmul.f32 v19, v28;
	v23 =	vmul.f32 v23, v31  }
0xb6: {  	v25 =	vld [tilespmem:s12+$0xFFFFBF90];
	v19 =	vbroadcast v16, $0xB;
	v24 =	vmul.f32 v24, v32  }
0xb7: {  	v61 =	vld [tilespmem:s12+$0xFFFFBFB0];
	v27 =	vmul.f32 v27, v35;
	v29 =	vmul.f32 v18, v29  }
0xb8: {  	v22 =	vld [tilespmem:s12+$0xFFFFFF80];
	v0 =	vadd.f32 v17, v0;
	v1 =	vadd.f32 v28, v1;
	v18 =	vbroadcast v16, $0xC  }
0xb9: {  	v62 =	vld [tilespmem:s12+$0xFFFFFFB0];
	v28 =	vmul.f32 v34, v33;
	v17 =	vbroadcast v16, $0xD;
	v3 =	vadd.f32 v23, v3  }
0xba: {  	v63 =	vld [tilespmem:s12+$0xFFFFFFC0];
	v4 =	vadd.f32 v24, v4;
	v5 =	vadd.f32 v27, v5;
	v27 =	vmul.f32 v60, v59  }
0xbb: {  	v23 =	vmul.f32 v20, v37;
	v24 =	vmul.f32 v41, v25;
	v2 =	vadd.f32 v29, v2;
	v29 =	vld [tilespmem:s12+$0xFFFFBFC0]  }
0xbc: {  	v20 =	vld [tilespmem:s12+$0xFFFFBFD0];
	v28 =	vmul.f32 v28, v36;
	v26 =	vmul.f32 v27, v26  }
0xbd: {  	v22 =	vmul.f32 v22, v40;
	v25 =	vmul.f32 v23, v38;
	v23 =	vld [tilespmem:s12+$0xFFFFFFD0]  }
0xbe: {  	v27 =	vmul.f32 v62, v61;
	v21 =	vmul.f32 v24, v21;
	v24 =	vld [tilespmem:s12+$0xFFFFFFE0]  }
0xbf: {  	v6 =	vadd.f32 v28, v6;
	v10 =	vadd.f32 v26, v10;
	v28 =	vmul.f32 v22, v39;
	v22 =	vld [tilespmem:s12+$0xFFFFBFE0]  }
0xc0: {  	v26 =	vld [tilespmem:s12+$0xFFFFFFF0];
	v9 =	vadd.f32 v21, v9;
	v21 =	vmul.f32 v27, v42;
	v27 =	vmul.f32 v63, v29  }
0xc1: {  	s20 =	simm.s32 $0x0;
	s21 =	simm.s32 $0x1410;
	v16 =	vbroadcast v16, $0xE;
	v8 =	vadd.f32 v25, v8;
	v25 =	vld [tilespmem:s12+$0xFFFFBFF0];
	v7 =	vadd.f32 v28, v7  }
.LBB2_5:
0xc2: {  	v28 =	vld [tilespmem:s21+$0x0];
	v14 =	vadd.f32 v21, v14;
	v19 =	vmul.f32 v27, v19;
	v20 =	vmul.f32 v23, v20;
	s12 =	sadd.s32 $0x100, s12  }
0xc3: {  	v21 =	vld [tilespmem:s12+$0xFFFFC000]  }
0xc4: {  	s20 =	sadd.s32 $0x10, s20;
	v23 =	vld [tilespmem:s12+$0x0];
	v15 =	vadd.f32 v19, v15;
	v18 =	vmul.f32 v20, v18;
	v19 =	vmul.f32 v24, v22  }
0xc5: {  	p2 =	slt.u32 s20, $0x3F0;
	v20 =	vld [tilespmem:s12+$0xFFFFBF10]  }
0xc6: {  	v22 =	vld [tilespmem:s12+$0xFFFFFF10];
	v13 =	vadd.f32 v18, v13;
	v17 =	vmul.f32 v19, v17;
	v24 =	vmul.f32 v26, v25  }
0xc7: {  	v25 =	vbroadcast v28, $0x0;
	v18 =	vld [tilespmem:s12+$0xFFFFBF20];
	v26 =	vbroadcast v28, $0x1  }
0xc8: {  	v27 =	vbroadcast v28, $0x2;
	v29 =	vbroadcast v28, $0x3;
	v19 =	vld [tilespmem:s12+$0xFFFFFF20];
	v12 =	vadd.f32 v17, v12  }
0xc9: {  	v17 =	vld [tilespmem:s12+$0xFFFFBF30];
	v21 =	vmul.f32 v23, v21;
	v23 =	vbroadcast v28, $0xF  }
0xca: {  	v31 =	vbroadcast v28, $0x4;
	v32 =	vbroadcast v28, $0x5;
	v30 =	vld [tilespmem:s12+$0xFFFFFF30]  }
0xcb: {  	v20 =	vmul.f32 v22, v20;
	v22 =	vld [tilespmem:s12+$0xFFFFBF40];
	v21 =	vmul.f32 v21, v23  }
0xcc: {  	v33 =	vbroadcast v28, $0x6;
	v34 =	vbroadcast v28, $0x7;
	v23 =	vld [tilespmem:s12+$0xFFFFFF40]  }
0xcd: {  	v37 =	vbroadcast v28, $0x8;
	v35 =	vmul.f32 v19, v18;
	v36 =	vld [tilespmem:s12+$0xFFFFBF50];
	v0 =	vadd.f32 v21, v0  }
0xce: {  	v38 =	vbroadcast v28, $0x9;
	v39 =	vbroadcast v28, $0xA;
	v21 =	vld [tilespmem:s12+$0xFFFFFF50]  }
0xcf: {  	v19 =	vbroadcast v28, $0xB;
	v30 =	vmul.f32 v30, v17;
	v40 =	vld [tilespmem:s12+$0xFFFFBF60]  }
0xd0: {  	v18 =	vbroadcast v28, $0xC;
	v17 =	vbroadcast v28, $0xD;
	v41 =	vld [tilespmem:s12+$0xFFFFFF60]  }
0xd1: {  	v28 =	vbroadcast v28, $0xE;
	v22 =	vmul.f32 v23, v22;
	v23 =	vld [tilespmem:s12+$0xFFFFBF70]  }
0xd2: {  	v20 =	vmul.f32 v20, v25;
	v25 =	vmul.f32 v35, v26;
	v26 =	vld [tilespmem:s12+$0xFFFFFF70]  }
0xd3: {  	v27 =	vmul.f32 v30, v27;
	v21 =	vmul.f32 v21, v36;
	v30 =	vld [tilespmem:s12+$0xFFFFBF80]  }
0xd4: {  	v24 =	vmul.f32 v24, v16;
	v1 =	vadd.f32 v20, v1;
	v16 =	vmovc v28;
	v20 =	vmul.f32 v22, v29;
	v22 =	vld [tilespmem:s12+$0xFFFFFF80]  }
0xd5: {  	v2 =	vadd.f32 v25, v2;
	v21 =	vmul.f32 v21, v31;
	v25 =	vmul.f32 v41, v40;
	v28 =	vld [tilespmem:s12+$0xFFFFBF90]  }
0xd6: {  	v3 =	vadd.f32 v27, v3;
	v4 =	vadd.f32 v20, v4;
	v20 =	vld [tilespmem:s12+$0xFFFFFF90]  }
0xd7: {  	v5 =	vadd.f32 v21, v5;
	v21 =	vmul.f32 v25, v32;
	v23 =	vmul.f32 v26, v23;
	v25 =	vld [tilespmem:s12+$0xFFFFBFA0]  }
0xd8: {  	v11 =	vadd.f32 v24, v11;
	v26 =	vld [tilespmem:s12+$0xFFFFFFA0]  }
0xd9: {  	v6 =	vadd.f32 v21, v6;
	v21 =	vmul.f32 v23, v33;
	v22 =	vmul.f32 v22, v30;
	v24 =	vld [tilespmem:s12+$0xFFFFBFB0]  }
0xda: {  	v27 =	vld [tilespmem:s12+$0xFFFFFFB0]  }
0xdb: {  	v8 =	vadd.f32 v21, v8;
	v21 =	vmul.f32 v22, v34;
	v20 =	vmul.f32 v20, v28;
	v28 =	vld [tilespmem:s12+$0xFFFFBFC0]  }
0xdc: {  	v29 =	vld [tilespmem:s12+$0xFFFFFFC0]  }
0xdd: {  	v7 =	vadd.f32 v21, v7;
	v21 =	vmul.f32 v20, v37;
	v22 =	vmul.f32 v26, v25;
	v20 =	vld [tilespmem:s12+$0xFFFFBFD0]  }
.Ltmp1:
0xde: {  	v23 =	vld [tilespmem:s12+$0xFFFFFFD0];
	(pc) =	sbr.rel @p2 .LBB2_5-.Ltmp1, $4  }
0xdf: {  	v9 =	vadd.f32 v21, v9;
	v21 =	vmul.f32 v22, v38;
	v25 =	vmul.f32 v27, v24;
	v22 =	vld [tilespmem:s12+$0xFFFFBFE0]  }
0xe0: {  	v24 =	vld [tilespmem:s12+$0xFFFFFFE0]  }
0xe1: {  	v10 =	vadd.f32 v21, v10;
	v21 =	vmul.f32 v25, v39;
	v27 =	vmul.f32 v29, v28;
	v25 =	vld [tilespmem:s12+$0xFFFFBFF0]  }
0xe2: {  	s21 =	sadd.s32 $0x10, s21;
	v26 =	vld [tilespmem:s12+$0xFFFFFFF0]  }
0xe3: {  	s12 =	sshll.u32 s11, $0x1  }
0xe4: {  	s13 =	sadd.s32 $0x3, s12  }
0xe5: {  	s14 =	simm.s32 @p0 $0x0;
	s20 =	sshll.u32 @p0 s13, $0x7;
	s13 =	sshll.u32 @!p0 s13, $0xA  }
0xe6: {  	s15 =	simm.s32 @p0 $0x800;
	s21 =	sadd.s32 @p0 s7, s20;
	s13 =	sadd.s32 @!p0 s9, s13  }
0xe7: {  	[tilespmem:s15], [sflag:$0x2] =	stream.linear.gather @p0 [hbm4b:s21+s14], $0x400, $0x38;
	[tilespmem:$0x15810] =	vst v63  }
0xe8: {  	s15 =	sadd.s32 @p0 s8, s20;
	s21 =	simm.s32 @p0 $0xC00;
	s13 =	sshrl.u32 @!p0 s13, $0x3  }
0xe9: {  	[tilespmem:s21], [sflag:$0x2] =	stream.linear.gather @p0 [hbm4b:s15+s14], $0x400, $0x38;
	[tilespmem:$0x15810] =	vst v63  }
0xea: {  	s14 =	sadd.s32 @!p0 s1, s13;
	s15 =	simm.s32 @!p0 $0x0;
	s21 =	simm.s32 @!p0 $0x800  }
0xeb: {  	[tilespmem:s21], [sflag:$0x2] =	stream.linear.gather @!p0 [hbm4b:s14+s15], $0x400, $0x38;
	[tilespmem:$0x15810] =	vst v63  }
0xec: {  	s14 =	sadd.s32 @!p0 s2, s13;
	s21 =	simm.s32 @!p0 $0xC00  }
0xed: {  	[tilespmem:s21], [sflag:$0x2] =	stream.linear.gather @!p0 [hbm4b:s14+s15], $0x400, $0x38;
	[tilespmem:$0x15810] =	vst v63  }
0xee: {  	s13 =	sadd.s32 @!p0 s3, s13;
	s14 =	sadd.s32 @p0 s10, s20  }
0xef: {  	s13 =	smov.u32 @p0 s14  }
0xf0: {  	[tilespmem:s25], [sflag:$0x2] =	stream.linear.gather [hbm4b:s13+s5], $0x400, $0x38;
	[tilespmem:$0x15810] =	vst v63  }
0xf1: {  	_ =	swait.ge [sflag:s29], $0x400  }
0xf2: {  	[sflag:s29] =	ssyncset.done $0x0  }
0xf3: {  	[sflag:s29] =	ssyncadd.s32 $0xFFFFFC00  }
0xf4: {  	_ =	swait.ge [sflag:s29], $0x400  }
0xf5: {  	[sflag:s29] =	ssyncset.done $0x0  }
0xf6: {  	[sflag:s29] =	ssyncadd.s32 $0xFFFFFC00  }
0xf7: {  	_ =	swait.ge [sflag:s29], $0x400  }
0xf8: {  	[sflag:s29] =	ssyncset.done $0x0  }
0xf9: {  	[sflag:s29] =	ssyncadd.s32 $0xFFFFFC00  }
0xfa: {  	[tilespmem:s30], [sflag:$0x4] =	stream.indirect.gather [spmem:s4], $0x10, s23, s23, $0xb8;
	[tilespmem:$0x15810] =	vst v63  }
0xfb: {  	_ =	swait.ge [sflag:s31], $0x8000  }
0xfc: {  	[sflag:s31] =	ssyncset.done $0x0  }
0xfd: {  	s21 =	simm.s32 $0x1000;
	[sflag:s31] =	ssyncadd.s32 $0xFFFF8000  }
0xfe: {  	s20 =	simm.s32 $0x58F0;
	v28 =	vld [tilespmem:s21+$0x0]  }
0xff: {  	v29 =	vld [tilespmem:s20+$0xFFFFC000]  }
0x100: {  	v30 =	vld [tilespmem:s20+$0x0]  }
0x101: {  	v31 =	vld [tilespmem:s20+$0xFFFFBF10]  }
0x102: {  	v32 =	vld [tilespmem:s20+$0xFFFFFF10]  }
0x103: {  	v33 =	vld [tilespmem:s20+$0xFFFFBF20]  }
0x104: {  	v34 =	vld [tilespmem:s20+$0xFFFFFF20]  }
0x105: {  	v20 =	vmul.f32 v23, v20;
	v35 =	vld [tilespmem:s20+$0xFFFFBF30]  }
0x106: {  	v22 =	vmul.f32 v24, v22;
	v24 =	vmul.f32 v26, v25;
	v23 =	vld [tilespmem:s20+$0xFFFFFF30]  }
0x107: {  	v19 =	vmul.f32 v27, v19;
	v18 =	vmul.f32 v20, v18;
	v25 =	vld [tilespmem:s20+$0xFFFFBF40]  }
0x108: {  	v17 =	vmul.f32 v22, v17;
	v16 =	vmul.f32 v24, v16;
	v20 =	vld [tilespmem:s20+$0xFFFFFF40]  }
0x109: {  	v22 =	vld [tilespmem:s20+$0xFFFFBF50];
	v24 =	vbroadcast v28, $0x0;
	v26 =	vbroadcast v28, $0x1  }
0x10a: {  	v27 =	vld [tilespmem:s20+$0xFFFFFF50];
	v36 =	vbroadcast v28, $0x2;
	v37 =	vbroadcast v28, $0x3  }
0x10b: {  	v38 =	vld [tilespmem:s20+$0xFFFFBF60];
	v29 =	vmul.f32 v30, v29;
	v52 =	vbroadcast v28, $0xF  }
0x10c: {  	v39 =	vld [tilespmem:s20+$0xFFFFFF60];
	v40 =	vbroadcast v28, $0x4;
	v31 =	vmul.f32 v32, v31  }
0x10d: {  	v53 =	vld [tilespmem:s20+$0xFFFFBF70];
	v54 =	vmul.f32 v34, v33;
	v56 =	vbroadcast v28, $0x5  }
0x10e: {  	v14 =	vadd.f32 v21, v14;
	v55 =	vld [tilespmem:s20+$0xFFFFFF70];
	v23 =	vmul.f32 v23, v35;
	v21 =	vbroadcast v28, $0x6  }
0x10f: {  	v57 =	vld [tilespmem:s20+$0xFFFFBF80];
	v20 =	vmul.f32 v20, v25;
	v41 =	vbroadcast v28, $0x7  }
0x110: {  	v15 =	vadd.f32 v19, v15;
	v58 =	vld [tilespmem:s20+$0xFFFFBF90];
	v42 =	vbroadcast v28, $0x8;
	v43 =	vbroadcast v28, $0x9  }
0x111: {  	v11 =	vadd.f32 v16, v11;
	v59 =	vld [tilespmem:s20+$0xFFFFFF90];
	v44 =	vbroadcast v28, $0xA;
	v16 =	vmul.f32 v27, v22  }
0x112: {  	v13 =	vadd.f32 v18, v13;
	v60 =	vld [tilespmem:s20+$0xFFFFBFA0];
	v19 =	vbroadcast v28, $0xB;
	v18 =	vbroadcast v28, $0xC  }
0x113: {  	v12 =	vadd.f32 v17, v12;
	v25 =	vld [tilespmem:s20+$0xFFFFFF80];
	v17 =	vbroadcast v28, $0xD;
	v29 =	vmul.f32 v29, v52  }
0x114: {  	v22 =	vld [tilespmem:s20+$0xFFFFFFA0];
	v24 =	vmul.f32 v31, v24;
	v26 =	vmul.f32 v54, v26  }
0x115: {  	v27 =	vld [tilespmem:s20+$0xFFFFBFB0];
	v23 =	vmul.f32 v23, v36;
	v20 =	vmul.f32 v20, v37  }
0x116: {  	v0 =	vadd.f32 v29, v0;
	v1 =	vadd.f32 v24, v1;
	v24 =	vmul.f32 v39, v38;
	v29 =	vld [tilespmem:s20+$0xFFFFFFB0]  }
0x117: {  	v61 =	vld [tilespmem:s20+$0xFFFFBFC0];
	v16 =	vmul.f32 v16, v40;
	v2 =	vadd.f32 v26, v2;
	v26 =	vmul.f32 v59, v58  }
0x118: {  	v62 =	vld [tilespmem:s20+$0xFFFFFFC0];
	v3 =	vadd.f32 v23, v3;
	v23 =	vmul.f32 v24, v56;
	v24 =	vmul.f32 v55, v53  }
0x119: {  	v4 =	vadd.f32 v20, v4;
	v20 =	vld [tilespmem:s20+$0xFFFFBFD0];
	v25 =	vmul.f32 v25, v57;
	v26 =	vmul.f32 v26, v42  }
0x11a: {  	v5 =	vadd.f32 v16, v5;
	v16 =	vmul.f32 v24, v21;
	v24 =	vmul.f32 v22, v60;
	v22 =	vld [tilespmem:s20+$0xFFFFFFD0]  }
0x11b: {  	v25 =	vmul.f32 v25, v41;
	v21 =	vld [tilespmem:s20+$0xFFFFBFE0];
	v27 =	vmul.f32 v29, v27  }
0x11c: {  	v6 =	vadd.f32 v23, v6;
	v23 =	vld [tilespmem:s20+$0xFFFFFFE0];
	v9 =	vadd.f32 v26, v9;
	v63 =	vmul.f32 v24, v43  }
0x11d: {  	v7 =	vadd.f32 v25, v7;
	v25 =	vld [tilespmem:s20+$0xFFFFFFF0];
	v26 =	vmul.f32 v27, v44;
	v27 =	vmul.f32 v62, v61  }
0x11e: {  	s13 =	simm.s32 $0x1010;
	s21 =	simm.s32 $0x0;
	v8 =	vadd.f32 v16, v8;
	v16 =	vbroadcast v28, $0xE;
	v24 =	vld [tilespmem:s20+$0xFFFFBFF0];
	v10 =	vadd.f32 v63, v10  }
.LBB2_7:
0x11f: {  	v28 =	vld [tilespmem:s13+$0x0];
	v14 =	vadd.f32 v26, v14;
	v19 =	vmul.f32 v27, v19;
	v20 =	vmul.f32 v22, v20;
	s20 =	sadd.s32 $0x100, s20  }
0x120: {  	v22 =	vld [tilespmem:s20+$0xFFFFC000]  }
0x121: {  	s21 =	sadd.s32 $0x10, s21;
	v26 =	vld [tilespmem:s20+$0x0];
	v15 =	vadd.f32 v19, v15;
	v18 =	vmul.f32 v20, v18;
	v19 =	vmul.f32 v23, v21  }
0x122: {  	p2 =	slt.u32 s21, $0x3F0;
	v20 =	vld [tilespmem:s20+$0xFFFFBF10]  }
0x123: {  	v21 =	vld [tilespmem:s20+$0xFFFFFF10];
	v13 =	vadd.f32 v18, v13;
	v17 =	vmul.f32 v19, v17;
	v23 =	vmul.f32 v25, v24  }
0x124: {  	v24 =	vbroadcast v28, $0x0;
	v18 =	vld [tilespmem:s20+$0xFFFFBF20];
	v25 =	vbroadcast v28, $0x1  }
0x125: {  	v27 =	vbroadcast v28, $0x2;
	v29 =	vbroadcast v28, $0x3;
	v19 =	vld [tilespmem:s20+$0xFFFFFF20];
	v12 =	vadd.f32 v17, v12  }
0x126: {  	v17 =	vld [tilespmem:s20+$0xFFFFBF30];
	v22 =	vmul.f32 v26, v22;
	v26 =	vbroadcast v28, $0xF  }
0x127: {  	v31 =	vbroadcast v28, $0x4;
	v32 =	vbroadcast v28, $0x5;
	v30 =	vld [tilespmem:s20+$0xFFFFFF30]  }
0x128: {  	v20 =	vmul.f32 v21, v20;
	v21 =	vld [tilespmem:s20+$0xFFFFBF40];
	v22 =	vmul.f32 v22, v26  }
0x129: {  	v33 =	vbroadcast v28, $0x6;
	v34 =	vbroadcast v28, $0x7;
	v26 =	vld [tilespmem:s20+$0xFFFFFF40]  }
0x12a: {  	v37 =	vbroadcast v28, $0x8;
	v35 =	vmul.f32 v19, v18;
	v36 =	vld [tilespmem:s20+$0xFFFFBF50];
	v0 =	vadd.f32 v22, v0  }
0x12b: {  	v38 =	vbroadcast v28, $0x9;
	v39 =	vbroadcast v28, $0xA;
	v22 =	vld [tilespmem:s20+$0xFFFFFF50]  }
0x12c: {  	v19 =	vbroadcast v28, $0xB;
	v30 =	vmul.f32 v30, v17;
	v40 =	vld [tilespmem:s20+$0xFFFFBF60]  }
0x12d: {  	v18 =	vbroadcast v28, $0xC;
	v17 =	vbroadcast v28, $0xD;
	v41 =	vld [tilespmem:s20+$0xFFFFFF60]  }
0x12e: {  	v28 =	vbroadcast v28, $0xE;
	v21 =	vmul.f32 v26, v21;
	v26 =	vld [tilespmem:s20+$0xFFFFBF70]  }
0x12f: {  	v20 =	vmul.f32 v20, v24;
	v24 =	vmul.f32 v35, v25;
	v25 =	vld [tilespmem:s20+$0xFFFFFF70]  }
0x130: {  	v27 =	vmul.f32 v30, v27;
	v22 =	vmul.f32 v22, v36;
	v30 =	vld [tilespmem:s20+$0xFFFFBF80]  }
0x131: {  	v23 =	vmul.f32 v23, v16;
	v1 =	vadd.f32 v20, v1;
	v16 =	vmovc v28;
	v20 =	vmul.f32 v21, v29;
	v21 =	vld [tilespmem:s20+$0xFFFFFF80]  }
0x132: {  	v2 =	vadd.f32 v24, v2;
	v22 =	vmul.f32 v22, v31;
	v24 =	vmul.f32 v41, v40;
	v28 =	vld [tilespmem:s20+$0xFFFFBF90]  }
0x133: {  	v3 =	vadd.f32 v27, v3;
	v4 =	vadd.f32 v20, v4;
	v20 =	vld [tilespmem:s20+$0xFFFFFF90]  }
0x134: {  	v5 =	vadd.f32 v22, v5;
	v22 =	vmul.f32 v24, v32;
	v24 =	vmul.f32 v25, v26;
	v25 =	vld [tilespmem:s20+$0xFFFFBFA0]  }
0x135: {  	v11 =	vadd.f32 v23, v11;
	v26 =	vld [tilespmem:s20+$0xFFFFFFA0]  }
0x136: {  	v6 =	vadd.f32 v22, v6;
	v22 =	vmul.f32 v24, v33;
	v21 =	vmul.f32 v21, v30;
	v23 =	vld [tilespmem:s20+$0xFFFFBFB0]  }
0x137: {  	v24 =	vld [tilespmem:s20+$0xFFFFFFB0]  }
0x138: {  	v8 =	vadd.f32 v22, v8;
	v21 =	vmul.f32 v21, v34;
	v20 =	vmul.f32 v20, v28;
	v27 =	vld [tilespmem:s20+$0xFFFFBFC0]  }
0x139: {  	v28 =	vld [tilespmem:s20+$0xFFFFFFC0]  }
0x13a: {  	v7 =	vadd.f32 v21, v7;
	v21 =	vmul.f32 v20, v37;
	v25 =	vmul.f32 v26, v25;
	v20 =	vld [tilespmem:s20+$0xFFFFBFD0]  }
.Ltmp2:
0x13b: {  	v22 =	vld [tilespmem:s20+$0xFFFFFFD0];
	(pc) =	sbr.rel @p2 .LBB2_7-.Ltmp2, $4  }
0x13c: {  	v9 =	vadd.f32 v21, v9;
	v25 =	vmul.f32 v25, v38;
	v24 =	vmul.f32 v24, v23;
	v21 =	vld [tilespmem:s20+$0xFFFFBFE0]  }
0x13d: {  	v23 =	vld [tilespmem:s20+$0xFFFFFFE0]  }
0x13e: {  	v10 =	vadd.f32 v25, v10;
	v26 =	vmul.f32 v24, v39;
	v27 =	vmul.f32 v28, v27;
	v24 =	vld [tilespmem:s20+$0xFFFFBFF0]  }
0x13f: {  	s13 =	sadd.s32 $0x10, s13;
	v25 =	vld [tilespmem:s20+$0xFFFFFFF0]  }
0x140: {  	s12 =	sadd.s32 $0x4, s12  }
0x141: {  	s15 =	simm.s32 @p0 $0x0;
	s13 =	sshll.u32 @p0 s12, $0x7;
	s12 =	sshll.u32 @!p0 s12, $0xA  }
0x142: {  	s20 =	simm.s32 @p0 $0x400;
	s14 =	sadd.s32 @p0 s7, s13;
	s12 =	sadd.s32 @!p0 s9, s12  }
0x143: {  	[tilespmem:s15], [sflag:$0x1] =	stream.linear.gather @p0 [hbm4b:s14+s15], $0x400, $0x38;
	[tilespmem:$0x15810] =	vst v63  }
0x144: {  	s11 =	sadd.s32 $0x1, s11;
	s14 =	sadd.s32 @p0 s8, s13;
	s12 =	sshrl.u32 @!p0 s12, $0x3  }
0x145: {  	[tilespmem:s20], [sflag:$0x1] =	stream.linear.gather @p0 [hbm4b:s14+s15], $0x400, $0x38;
	[tilespmem:$0x15810] =	vst v63  }
0x146: {  	p2 =	sne.s32 s11, $0x29;
	s14 =	sadd.s32 @!p0 s1, s12;
	s15 =	simm.s32 @!p0 $0x0  }
0x147: {  	v20 =	vmul.f32 v22, v20;
	[tilespmem:s15], [sflag:$0x1] =	stream.linear.gather @!p0 [hbm4b:s14+s15], $0x400, $0x38;
	[tilespmem:$0x15810] =	vst v63  }
.Ltmp3:
0x148: {  	v21 =	vmul.f32 v23, v21;
	s13 =	sadd.s32 @p0 s10, s13;
	v63 =	vmul.f32 v25, v24;
	(pc) =	sbr.rel @p2 .LBB2_4-.Ltmp3, $4  }
0x149: {  	v19 =	vmul.f32 v27, v19;
	v18 =	vmul.f32 v20, v18;
	s20 =	simm.s32 @!p0 $0x400;
	s14 =	sadd.s32 @!p0 s2, s12;
	s12 =	sadd.s32 @!p0 s3, s12  }
0x14a: {  	v14 =	vadd.f32 v26, v14;
	v17 =	vmul.f32 v21, v17;
	v16 =	vmul.f32 v63, v16;
	[tilespmem:s20], [sflag:$0x1] =	stream.linear.gather @!p0 [hbm4b:s14+s15], $0x400, $0x38;
	[tilespmem:$0x15810] =	vst v63  }
0x14b: {  	v15 =	vadd.f32 v19, v15;
	v13 =	vadd.f32 v18, v13;
	s12 =	smov.u32 @p0 s13  }
0x14c: {  	v12 =	vadd.f32 v17, v12;
	v11 =	vadd.f32 v16, v11;
	[tilespmem:s22], [sflag:$0x1] =	stream.linear.gather [hbm4b:s12+s5], $0x400, $0x38;
	[tilespmem:$0x15810] =	vst v63  }
0x14d: {  	v1 =	vadd.f32 v2, v1;
	_ =	sdelay $0x1  }
0x14e: {  	v1 =	vadd.f32 v3, v1;
	_ =	sdelay $0x1  }
0x14f: {  	v1 =	vadd.f32 v4, v1;
	_ =	sdelay $0x1  }
0x150: {  	v1 =	vadd.f32 v5, v1;
	_ =	sdelay $0x1  }
0x151: {  	v1 =	vadd.f32 v6, v1;
	_ =	sdelay $0x1  }
0x152: {  	v1 =	vadd.f32 v8, v1;
	_ =	sdelay $0x1  }
0x153: {  	v1 =	vadd.f32 v7, v1;
	_ =	sdelay $0x1  }
0x154: {  	v1 =	vadd.f32 v9, v1;
	_ =	sdelay $0x1  }
0x155: {  	v1 =	vadd.f32 v10, v1;
	_ =	sdelay $0x1  }
0x156: {  	_ =	swait.ge [sflag:s26], $0x400;
	v1 =	vadd.f32 v14, v1  }
0x157: {  	[sflag:s26] =	ssyncset.done $0x0  }
0x158: {  	[sflag:s26] =	ssyncadd.s32 $0xFFFFFC00;
	v1 =	vadd.f32 v15, v1  }
0x159: {  	_ =	swait.ge [sflag:s26], $0x400  }
0x15a: {  	[sflag:s26] =	ssyncset.done $0x0;
	v1 =	vadd.f32 v13, v1  }
0x15b: {  	[sflag:s26] =	ssyncadd.s32 $0xFFFFFC00  }
0x15c: {  	_ =	swait.ge [sflag:s26], $0x400;
	v1 =	vadd.f32 v12, v1  }
0x15d: {  	[sflag:s26] =	ssyncset.done $0x0  }
0x15e: {  	[sflag:s26] =	ssyncadd.s32 $0xFFFFFC00;
	v1 =	vadd.f32 v11, v1  }
0x15f: {  	_ =	swait.ge [sflag:s24], $0x8000  }
0x160: {  	[sflag:s24] =	ssyncset.done $0x0;
	v0 =	vadd.f32 v0, v1  }
0x161: {  	[sflag:s24] =	ssyncadd.s32 $0xFFFF8000  }
0x162: {  	s12 =	simm.s32 $0x11800;
	s11 =	rddreg [dreg:$0xc];
	[tilespmem:$0x11800] =	vst v0  }
0x163: {  	[hbm4b:s11+s5] =	stream.linear.scatter [tilespmem:s12], [sflag:$0x5], $0x10, $0x38;
	[tilespmem:$0x15810] =	vst v63  }
0x164: {  	_ =	swait.ge [sflag:s0], $0x10  }
0x165: {  	s6 =	sadd.s32 $0x1, s6;
	s21 =	rddreg [dreg:$0xd]  }
0x166: {  	p2 =	sne.s32 s6, s21  }
.Ltmp4:
0x167: {  	_ = 	snop;
	(pc) =	sbr.rel @p2 .LBB2_1-.Ltmp4, $3  }
0x168: {  	_ =	sdelay $0x1  }
0x169: {  	[sflag:s0] =	ssyncset.done $0x0  }
0x16a: {  	[sflag:s0] =	ssyncadd.s32 $0xFFFFFFF0  }
0x16b: {  	_ =	sfence.sel $0x180000  }
0x16c: {  	[bflag:$0x0] =	sbarrier.arrive $0xFFFF  }
0x16d: {  	_ =	strace $0x90000047  }
0x16e: {  	[bflag:$0x2] =	sbarrier.arrive $0xFFFF  }
0x16f: {  	s0 =	rddreg [dreg:$0x5]  }
0x170: {  	s0 =	sadd.s32 @!p1 $0x100000, s0  }
0x171: {  	[sflag:s0] =	ssyncadd.tile.s32 @!p1 $0x1;
	_ =	shalt  }
.Lfunc_end2:
_tile_overlayer_lowered:
.L_overlay_start_2:
0x172: {  	(tag) =	ssettag $0x2  }
0x173: {  	s0 =	rddreg [dreg:$0x0];
	s2 =	stileid.u32  }
0x174: {  	s1 =	rddreg [dreg:$0x1];
	p0 =	sne.s32 s2, $0x0  }
0x175: {  	s3 =	rddreg [dreg:$0x2];
	[bflag:$0x3] =	sbarrier.arrive $0xFFFF;
	s2 =	simm.s32 @!p0 $0x1C05  }
0x176: {  	[timem:s3], [sflag:s2] =	dma.local @!p0 [hbm:s0], s1  }
0x177: {  	s0 =	simm.s32 @!p0 $0x5  }
0x178: {  	_ =	swait.ge @!p0 [sflag:s0], s1  }
0x179: {  	s1 =	ssub.s32 @!p0 $0x0, s1;
	[sflag:s0] =	ssyncset.done @!p0 $0x0  }
0x17a: {  	[sflag:s0] =	ssyncadd.s32 @!p0 s1  }
0x17b: {  	[bflag:$0x3] =	sbarrier.arrive $0xFFFF  }
0x17c: {  	_ =	shalt  }

</sc_bundles>
